<compile_context>
chip_gen: v7x
topology: tpu7x:2x2x1
jax: 0.10.2.dev20260603
libtpu: 0.0.44.dev20260713+nightly
codegen_flags: <defaults>
</compile_context>

<pallas_src>
import functools

import jax
import jax.numpy as jnp
from jax import lax
from jax.experimental import pallas as pl
from jax.experimental.pallas import tpu as pltpu
from jax.experimental.pallas import tpu_sc as plsc

NUM_WORKERS = 32
TILES_PER_CORE = 16
CHUNK = 125
PAD_N = 10240


def _edge_chunks(e_total):
    per_worker = e_total // NUM_WORKERS
    assert per_worker * NUM_WORKERS == e_total
    assert per_worker % CHUNK == 0
    return per_worker, per_worker // CHUNK


def _split_idx(idx):
    per_worker, iters = _edge_chunks(idx.shape[0])
    return idx.reshape(NUM_WORKERS, iters, CHUNK)


def _deg_pass(dst, n):
    e_total = dst.shape[0]
    per_worker, iters = _edge_chunks(e_total)
    rpt = PAD_N // TILES_PER_CORE
    mesh = plsc.VectorSubcoreMesh(core_axis_name="c", subcore_axis_name="s")

    @functools.partial(
        pl.kernel,
        out_type=jax.ShapeDtypeStruct((2, PAD_N, 8), jnp.float32),
        mesh=mesh,
        scratch_types=[
            pltpu.VMEM((iters, CHUNK), jnp.int32),
            pltpu.VMEM((CHUNK, 8), jnp.float32),
            pltpu.VMEM_SHARED((PAD_N, 8), jnp.float32),
            pltpu.SemaphoreType.DMA,
        ],
        compiler_params=pltpu.CompilerParams(use_tc_tiling_on_sc=False),
    )
    def k(dst_hbm, ones_hbm, zeros_hbm, out_hbm, didx, rows, acc, ssem):
        c = lax.axis_index("c")
        s = lax.axis_index("s")
        wid = c * TILES_PER_CORE + s
        roff = pl.multiple_of(s * rpt, 8)
        pltpu.sync_copy(zeros_hbm, acc.at[pl.ds(roff, rpt)])
        pltpu.sync_copy(dst_hbm.at[wid], didx)
        pltpu.sync_copy(ones_hbm, rows)
        plsc.subcore_barrier()

        def fire(j, carry):
            pltpu.async_copy(rows, acc.at[didx.at[j]], ssem, add=True)
            return carry

        lax.fori_loop(0, iters, fire, 0)

        def drain(j, carry):
            pltpu.make_async_copy(rows, acc.at[didx.at[0]], ssem).wait()
            return carry

        lax.fori_loop(0, iters, drain, 0)
        plsc.subcore_barrier()
        pltpu.sync_copy(acc.at[pl.ds(roff, rpt)],
                        out_hbm.at[c, pl.ds(roff, rpt)])

    ones = jnp.ones((CHUNK, 8), jnp.float32)
    zeros = jnp.zeros((rpt, 8), jnp.float32)
    return k(_split_idx(dst), ones, zeros)


def _edge_pass(src, dst, hp, cnt=None):
    e_total = src.shape[0]
    f = hp.shape[1]
    per_worker, iters = _edge_chunks(e_total)
    rpt = PAD_N // TILES_PER_CORE
    mesh = plsc.VectorSubcoreMesh(core_axis_name="c", subcore_axis_name="s")
    acc_t = jax.ShapeDtypeStruct((2, PAD_N, f), jnp.float32)
    out_t = acc_t if cnt is None else (acc_t,
                                       jax.ShapeDtypeStruct((PAD_N, f),
                                                            jnp.float32))
    scale = cnt is not None
    extra_scratch = [
        pltpu.VMEM((rpt, f), jnp.float32),
        pltpu.VMEM((rpt, 8), jnp.float32),
        pltpu.VMEM((rpt, 8), jnp.float32),
        pltpu.VMEM((16,), jnp.float32),
    ] if scale else []

    @functools.partial(
        pl.kernel,
        out_type=out_t,
        mesh=mesh,
        scratch_types=[
            pltpu.VMEM((iters, CHUNK), jnp.int32),
            pltpu.VMEM((iters, CHUNK), jnp.int32),
            pltpu.VMEM((6, CHUNK, f), jnp.float32),
            pltpu.VMEM_SHARED((PAD_N, f), jnp.float32),
            pltpu.VMEM_SHARED((PAD_N, f), jnp.float32),
        ] + extra_scratch + [
            pltpu.SemaphoreType.DMA,
            pltpu.SemaphoreType.DMA,
        ],
        compiler_params=pltpu.CompilerParams(use_tc_tiling_on_sc=False,
                                             needs_layout_passes=not scale),
    )
    def k(*refs):
        if scale:
            (src_hbm, dst_hbm, hp_hbm, cnt_hbm, zeros_hbm, out_hbm, hp_out,
             sidx, didx, rows, acc, hps, hv, cv0, cv1, dsc, gsem, ssem) = refs
        else:
            (src_hbm, dst_hbm, hp_hbm, zeros_hbm, out_hbm,
             sidx, didx, rows, acc, hps, gsem, ssem) = refs
        c = lax.axis_index("c")
        s = lax.axis_index("s")
        wid = c * TILES_PER_CORE + s
        roff = pl.multiple_of(s * rpt, 8)
        pltpu.sync_copy(zeros_hbm, acc.at[pl.ds(roff, rpt)])
        if not scale:
            pltpu.sync_copy(hp_hbm.at[pl.ds(roff, rpt)],
                            hps.at[pl.ds(roff, rpt)])
        else:
            pltpu.sync_copy(hp_hbm.at[pl.ds(roff, rpt)], hv)
            pltpu.sync_copy(cnt_hbm.at[0, pl.ds(roff, rpt)], cv0)
            pltpu.sync_copy(cnt_hbm.at[1, pl.ds(roff, rpt)], cv1)

            def sgroup(g, carry):
                r16 = g * 16 + lax.iota(jnp.int32, 16)
                z16 = jnp.zeros((16,), jnp.int32)
                d = (plsc.load_gather(cv0, [r16, z16])
                     + plsc.load_gather(cv1, [r16, z16]) + 1.0)
                bits = jnp.int32(0x5F3759DF) - (plsc.bitcast(d, jnp.int32) >> 1)
                y = plsc.bitcast(bits, jnp.float32)
                for _ in range(3):
                    y = y * (1.5 - 0.5 * d * y * y)
                dsc[...] = y
                for i in range(16):
                    bi = plsc.load_gather(dsc,
                                          [jnp.full((16,), i, jnp.int32)])
                    hv[g * 16 + i, :] = hv[g * 16 + i, :] * bi
                return carry

            lax.fori_loop(0, rpt // 16, sgroup, 0)
            pltpu.sync_copy(hv, hps.at[pl.ds(roff, rpt)])

            @pl.when(c == 0)
            def _():
                pltpu.sync_copy(hv, hp_out.at[pl.ds(roff, rpt)])

        pltpu.sync_copy(src_hbm.at[wid], sidx)
        pltpu.sync_copy(dst_hbm.at[wid], didx)
        plsc.subcore_barrier()
        pltpu.async_copy(hps.at[sidx.at[0]], rows.at[0], gsem)
        pltpu.async_copy(hps.at[sidx.at[1]], rows.at[1], gsem)
        pltpu.async_copy(hps.at[sidx.at[2]], rows.at[2], gsem)

        def body(j, carry):
            b = lax.rem(j, 6)
            pltpu.make_async_copy(hps.at[sidx.at[j]], rows.at[b], gsem).wait()
            pltpu.async_copy(rows.at[b], acc.at[didx.at[j]], ssem, add=True)

            @pl.when(j >= 3)
            def _():
                pltpu.make_async_copy(rows.at[0], acc.at[didx.at[0]], ssem).wait()

            @pl.when(j + 3 < iters)
            def _():
                pltpu.async_copy(hps.at[sidx.at[j + 3]],
                                 rows.at[lax.rem(j + 3, 6)], gsem)

            return carry

        lax.fori_loop(0, iters, body, 0)
        pltpu.make_async_copy(rows.at[0], acc.at[didx.at[0]], ssem).wait()
        pltpu.make_async_copy(rows.at[0], acc.at[didx.at[0]], ssem).wait()
        pltpu.make_async_copy(rows.at[0], acc.at[didx.at[0]], ssem).wait()
        plsc.subcore_barrier()
        pltpu.sync_copy(acc.at[pl.ds(roff, rpt)],
                        out_hbm.at[c, pl.ds(roff, rpt)])

    zeros = jnp.zeros((rpt, f), jnp.float32)
    if scale:
        return k(_split_idx(src), _split_idx(dst), hp, cnt, zeros)
    return k(_split_idx(src), _split_idx(dst), hp, zeros)


def _dis_from_cnt(cnt0, cnt1):
    deg = cnt0[:, 0:1] + cnt1[:, 0:1] + 1.0
    return lax.rsqrt(deg)


def _matmul(x, w, rows):
    d = x.shape[1]
    h = w.shape[1]

    def body(x_ref, w_ref, o_ref):
        o_ref[...] = jnp.dot(x_ref[...], w_ref[...],
                             preferred_element_type=jnp.float32)

    return pl.pallas_call(
        body,
        grid=(PAD_N // rows,),
        in_specs=[
            pl.BlockSpec((rows, d), lambda i: (i, 0)),
            pl.BlockSpec((d, h), lambda i: (0, 0)),
        ],
        out_specs=pl.BlockSpec((rows, h), lambda i: (i, 0)),
        out_shape=jax.ShapeDtypeStruct((PAD_N, h), jnp.float32),
    )(x, w)


def _mid_layer(acc, hp, cnt, b1, w2p, n, rows):
    h = hp.shape[1]
    f2 = w2p.shape[1]

    def body(acc_ref, hp_ref, cnt_ref, b_ref, w_ref, o_ref):
        dis = _dis_from_cnt(cnt_ref[0], cnt_ref[1])
        agg = acc_ref[0] + acc_ref[1] + hp_ref[...]
        z = agg * dis + b_ref[...]
        r = jnp.maximum(z, 0.0)
        o_ref[...] = jnp.dot(r, w_ref[...],
                             preferred_element_type=jnp.float32) * dis

    return pl.pallas_call(
        body,
        grid=(n // rows,),
        in_specs=[
            pl.BlockSpec((2, rows, h), lambda i: (0, i, 0)),
            pl.BlockSpec((rows, h), lambda i: (i, 0)),
            pl.BlockSpec((2, rows, 8), lambda i: (0, i, 0)),
            pl.BlockSpec((1, h), lambda i: (0, 0)),
            pl.BlockSpec((h, f2), lambda i: (0, 0)),
        ],
        out_specs=pl.BlockSpec((rows, f2), lambda i: (i, 0)),
        out_shape=jax.ShapeDtypeStruct((n, f2), jnp.float32),
    )(acc, hp, cnt, b1, w2p)


def _final_layer(acc, hp, cnt, b2p, c_out, n, rows):
    f2 = hp.shape[1]

    def body(acc_ref, hp_ref, cnt_ref, b_ref, o_ref):
        dis = _dis_from_cnt(cnt_ref[0], cnt_ref[1])
        agg = acc_ref[0] + acc_ref[1] + hp_ref[...]
        z = agg * dis + b_ref[...]
        cols = lax.broadcasted_iota(jnp.int32, z.shape, 1)
        zm = jnp.where(cols < c_out, z, -1e30)
        m = jnp.max(zm, axis=1, keepdims=True)
        s = jnp.sum(jnp.exp(zm - m), axis=1, keepdims=True)
        o_ref[...] = (z - m - jnp.log(s))[:, :c_out]

    return pl.pallas_call(
        body,
        grid=(n // rows,),
        in_specs=[
            pl.BlockSpec((2, rows, f2), lambda i: (0, i, 0)),
            pl.BlockSpec((rows, f2), lambda i: (i, 0)),
            pl.BlockSpec((2, rows, 8), lambda i: (0, i, 0)),
            pl.BlockSpec((1, f2), lambda i: (0, 0)),
        ],
        out_specs=pl.BlockSpec((rows, c_out), lambda i: (i, 0)),
        out_shape=jax.ShapeDtypeStruct((n, c_out), jnp.float32),
    )(acc, hp, cnt, b2p)


def kernel(x, edge_index, W1, b1, W2, b2):
    n = x.shape[0]
    h = W1.shape[1]
    c_out = W2.shape[1]
    f2 = 16
    rows = 2000

    src = edge_index[0]
    dst = edge_index[1]
    w2p = jnp.pad(W2, ((0, 0), (0, f2 - c_out)))
    b1r = b1.reshape(1, h)
    b2p = jnp.pad(b2, (0, f2 - c_out)).reshape(1, f2)

    cnt = _deg_pass(dst, n)
    h1 = _matmul(x, W1, 2048)
    acc1, hp1 = _edge_pass(src, dst, h1, cnt)
    hp2 = _mid_layer(acc1, hp1, cnt, b1r, w2p, PAD_N, 2048)
    acc2 = _edge_pass(src, dst, hp2)
    return _final_layer(acc2, hp2, cnt, b2p, c_out, n, rows)

# --- scband reference (transcript-rebuilt; emitter-appended) ---
"""Pipeline reference for scband-gcnmodel-3332894622186 (READ-ONLY COPY).

The authoritative reference and input builder live on the scoring server;
editing this copy changes nothing except your own understanding.
"""

import jax, jax.numpy as jnp
import numpy as np

N = 10000
E = 640000
D_IN = 1433
H = 16
C = 7


def setup_inputs(seed: int = 0) -> dict:
    key = jax.random.key(seed)
    k1, k2, k3, k4 = jax.random.split(key, 4)
    x = jax.random.normal(k1, (N, D_IN), dtype=jnp.float32)
    edge_index = jax.random.randint(k2, (2, E), 0, N, dtype=jnp.int32)
    W1 = jax.random.normal(k3, (D_IN, H), dtype=jnp.float32) * (1.0 / np.sqrt(D_IN))
    b1 = jnp.zeros((H,), dtype=jnp.float32)
    W2 = jax.random.normal(k4, (H, C), dtype=jnp.float32) * (1.0 / np.sqrt(H))
    b2 = jnp.zeros((C,), dtype=jnp.float32)
    return {"x": x, "edge_index": edge_index, "W1": W1, "b1": b1, "W2": W2, "b2": b2}


def _gcn_conv(x, edge_index, W, b):
    # Faithful PyG GCNConv: add self-loops, symmetric deg^-1/2 normalization,
    # linear transform, then scatter-add aggregation of source messages at dst.
    n = x.shape[0]
    src = edge_index[0]
    dst = edge_index[1]
    loop = jnp.arange(n, dtype=edge_index.dtype)
    src = jnp.concatenate([src, loop])
    dst = jnp.concatenate([dst, loop])
    ew = jnp.ones(src.shape[0], dtype=x.dtype)
    deg = jnp.zeros((n,), dtype=x.dtype).at[dst].add(ew)
    deg_inv_sqrt = jnp.where(deg > 0, jax.lax.rsqrt(jnp.maximum(deg, 1e-12)), 0.0)
    norm = deg_inv_sqrt[src] * deg_inv_sqrt[dst]
    h = x @ W
    msg = h[src] * norm[:, None]
    out = jnp.zeros((n, h.shape[1]), dtype=x.dtype).at[dst].add(msg)
    return out + b


def reference(x, edge_index, W1, b1, W2, b2):
    h = _gcn_conv(x, edge_index, W1, b1)
    h = jax.nn.relu(h)
    # F.dropout with training=self.training; eval mode -> identity
    h = _gcn_conv(h, edge_index, W2, b2)
    return jax.nn.log_softmax(h, axis=1)

if __name__ == "__main__":
    import jax
    _d = setup_inputs()
    print(jax.jit(kernel)(*tuple(_d.values())))

</pallas_src>

<mosaic_0001>
#map = affine_map<(d0, d1) -> (0, 0, 0)>
#map1 = affine_map<(d0, d1) -> (0, 0)>
module attributes {stable_mosaic.version = 14 : i64} {
  func.func @k(%arg0: i32, %arg1: i32, %arg2: memref<32x160x125xi32, #tpu.memory_space<hbm>>, %arg3: memref<32x160x125xi32, #tpu.memory_space<hbm>>, %arg4: memref<10240x16xf32, #tpu.memory_space<hbm>>, %arg5: memref<640x16xf32, #tpu.memory_space<hbm>>, %arg6: memref<2x10240x16xf32, #tpu.memory_space<hbm>>, %arg7: memref<160x125xi32, #tpu.memory_space<vmem>>, %arg8: memref<160x125xi32, #tpu.memory_space<vmem>>, %arg9: memref<6x125x16xf32, #tpu.memory_space<vmem>>, %arg10: memref<10240x16xf32, #tpu.memory_space<vmem_shared>>, %arg11: memref<10240x16xf32, #tpu.memory_space<vmem_shared>>, %arg12: memref<!tpu.dma_semaphore, #tpu.memory_space<semaphore_mem>>, %arg13: memref<!tpu.dma_semaphore, #tpu.memory_space<semaphore_mem>>) attributes {dimension_semantics = [#tpu.dimension_semantics<core_parallel>, #tpu.dimension_semantics<subcore_parallel>], iteration_bounds = array<i64: 2, 16>, scalar_prefetch = 0 : i64, scratch_operands = 7 : i64, tpu.core_type = #tpu.core_type<sc_vector_subcore>, window_params = [{transform_indices = #map}, {transform_indices = #map}, {transform_indices = #map1}, {transform_indices = #map1}, {transform_indices = #map}]} {
    %mul3A = arith.constant 16 : i32
    %mul3A_0 = arith.muli %arg0, %mul3A : i32
    %add3A = arith.addi %mul3A_0, %arg1 : i32
    %mul3A_1 = arith.constant 640 : i32
    %mul3A_2 = arith.muli %arg1, %mul3A_1 : i32
    %multiple_of3A = tpu.assume_multiple %mul3A_2, 8 : i32
    "tpu.region"() ({
      %run_scoped3A = tpu.sem_alloc : memref<!tpu.dma_semaphore, #tpu.memory_space<semaphore_mem>>
      %dma_start3A_79 = arith.constant 0 : i32
      %dma_start3A_80 = tpu.memref_slice %arg10[%multiple_of3A, %dma_start3A_79] : memref<10240x16xf32, #tpu.memory_space<vmem_shared>> -> memref<640x16xf32, #tpu.memory_space<vmem_shared>>
      tpu.enqueue_dma source(%arg5 : memref<640x16xf32, #tpu.memory_space<hbm>>) target(%dma_start3A_80 : memref<640x16xf32, #tpu.memory_space<vmem_shared>>) target_semaphore(%run_scoped3A : memref<!tpu.dma_semaphore, #tpu.memory_space<semaphore_mem>>)
      %dma_wait3A_81 = arith.constant 0 : i32
      %dma_wait3A_82 = tpu.memref_slice %arg10[%multiple_of3A, %dma_wait3A_81] : memref<10240x16xf32, #tpu.memory_space<vmem_shared>> -> memref<640x16xf32, #tpu.memory_space<vmem_shared>>
      tpu.wait_dma2 semaphore(%run_scoped3A : memref<!tpu.dma_semaphore, #tpu.memory_space<semaphore_mem>>) src(%arg5 : memref<640x16xf32, #tpu.memory_space<hbm>>) dst(%dma_wait3A_82 : memref<640x16xf32, #tpu.memory_space<vmem_shared>>)
      tpu.yield
    }) : () -> ()
    "tpu.region"() ({
      %run_scoped3A = tpu.sem_alloc : memref<!tpu.dma_semaphore, #tpu.memory_space<semaphore_mem>>
      %dma_start3A_79 = arith.constant 0 : i32
      %dma_start3A_80 = tpu.memref_slice %arg11[%multiple_of3A, %dma_start3A_79] : memref<10240x16xf32, #tpu.memory_space<vmem_shared>> -> memref<640x16xf32, #tpu.memory_space<vmem_shared>>
      %dma_start3A_81 = arith.constant 0 : i32
      %dma_start3A_82 = tpu.memref_slice %arg4[%multiple_of3A, %dma_start3A_81] : memref<10240x16xf32, #tpu.memory_space<hbm>> -> memref<640x16xf32, #tpu.memory_space<hbm>>
      tpu.enqueue_dma source(%dma_start3A_82 : memref<640x16xf32, #tpu.memory_space<hbm>>) target(%dma_start3A_80 : memref<640x16xf32, #tpu.memory_space<vmem_shared>>) target_semaphore(%run_scoped3A : memref<!tpu.dma_semaphore, #tpu.memory_space<semaphore_mem>>)
      %dma_wait3A_83 = arith.constant 0 : i32
      %dma_wait3A_84 = tpu.memref_slice %arg11[%multiple_of3A, %dma_wait3A_83] : memref<10240x16xf32, #tpu.memory_space<vmem_shared>> -> memref<640x16xf32, #tpu.memory_space<vmem_shared>>
      %dma_wait3A_85 = arith.constant 0 : i32
      %dma_wait3A_86 = tpu.memref_slice %arg4[%multiple_of3A, %dma_wait3A_85] : memref<10240x16xf32, #tpu.memory_space<hbm>> -> memref<640x16xf32, #tpu.memory_space<hbm>>
      tpu.wait_dma2 semaphore(%run_scoped3A : memref<!tpu.dma_semaphore, #tpu.memory_space<semaphore_mem>>) src(%dma_wait3A_86 : memref<640x16xf32, #tpu.memory_space<hbm>>) dst(%dma_wait3A_84 : memref<640x16xf32, #tpu.memory_space<vmem_shared>>)
      tpu.yield
    }) : () -> ()
    "tpu.region"() ({
      %run_scoped3A = tpu.sem_alloc : memref<!tpu.dma_semaphore, #tpu.memory_space<semaphore_mem>>
      %dma_start3A_79 = arith.constant 0 : i32
      %dma_start3A_80 = arith.constant 0 : i32
      %dma_start3A_81 = tpu.memref_slice %arg2[%add3A, %dma_start3A_79, %dma_start3A_80] : memref<32x160x125xi32, #tpu.memory_space<hbm>> -> memref<1x160x125xi32, #tpu.memory_space<hbm>>
      %dma_start3A_82 = tpu.memref_squeeze %dma_start3A_81 : memref<1x160x125xi32, #tpu.memory_space<hbm>> -> memref<160x125xi32, #tpu.memory_space<hbm>>
      %dma_start3A_83 = arith.constant 0 : i32
      %dma_start3A_84 = arith.constant 0 : i32
      %dma_start3A_85 = tpu.memref_slice %arg2[%add3A, %dma_start3A_83, %dma_start3A_84] : memref<32x160x125xi32, #tpu.memory_space<hbm>> -> memref<1x160x125xi32, #tpu.memory_space<hbm>>
      %dma_start3A_86 = tpu.memref_squeeze %dma_start3A_85 : memref<1x160x125xi32, #tpu.memory_space<hbm>> -> memref<160x125xi32, #tpu.memory_space<hbm>>
      tpu.enqueue_dma source(%dma_start3A_86 : memref<160x125xi32, #tpu.memory_space<hbm>>) target(%arg7 : memref<160x125xi32, #tpu.memory_space<vmem>>) target_semaphore(%run_scoped3A : memref<!tpu.dma_semaphore, #tpu.memory_space<semaphore_mem>>)
      %dma_wait3A_87 = arith.constant 0 : i32
      %dma_wait3A_88 = arith.constant 0 : i32
      %dma_wait3A_89 = tpu.memref_slice %arg2[%add3A, %dma_wait3A_87, %dma_wait3A_88] : memref<32x160x125xi32, #tpu.memory_space<hbm>> -> memref<1x160x125xi32, #tpu.memory_space<hbm>>
      %dma_wait3A_90 = tpu.memref_squeeze %dma_wait3A_89 : memref<1x160x125xi32, #tpu.memory_space<hbm>> -> memref<160x125xi32, #tpu.memory_space<hbm>>
      %dma_wait3A_91 = arith.constant 0 : i32
      %dma_wait3A_92 = arith.constant 0 : i32
      %dma_wait3A_93 = tpu.memref_slice %arg2[%add3A, %dma_wait3A_91, %dma_wait3A_92] : memref<32x160x125xi32, #tpu.memory_space<hbm>> -> memref<1x160x125xi32, #tpu.memory_space<hbm>>
      %dma_wait3A_94 = tpu.memref_squeeze %dma_wait3A_93 : memref<1x160x125xi32, #tpu.memory_space<hbm>> -> memref<160x125xi32, #tpu.memory_space<hbm>>
      tpu.wait_dma2 semaphore(%run_scoped3A : memref<!tpu.dma_semaphore, #tpu.memory_space<semaphore_mem>>) src(%dma_wait3A_94 : memref<160x125xi32, #tpu.memory_space<hbm>>) dst(%arg7 : memref<160x125xi32, #tpu.memory_space<vmem>>)
      tpu.yield
    }) : () -> ()
    "tpu.region"() ({
      %run_scoped3A = tpu.sem_alloc : memref<!tpu.dma_semaphore, #tpu.memory_space<semaphore_mem>>
      %dma_start3A_79 = arith.constant 0 : i32
      %dma_start3A_80 = arith.constant 0 : i32
      %dma_start3A_81 = tpu.memref_slice %arg3[%add3A, %dma_start3A_79, %dma_start3A_80] : memref<32x160x125xi32, #tpu.memory_space<hbm>> -> memref<1x160x125xi32, #tpu.memory_space<hbm>>
      %dma_start3A_82 = tpu.memref_squeeze %dma_start3A_81 : memref<1x160x125xi32, #tpu.memory_space<hbm>> -> memref<160x125xi32, #tpu.memory_space<hbm>>
      %dma_start3A_83 = arith.constant 0 : i32
      %dma_start3A_84 = arith.constant 0 : i32
      %dma_start3A_85 = tpu.memref_slice %arg3[%add3A, %dma_start3A_83, %dma_start3A_84] : memref<32x160x125xi32, #tpu.memory_space<hbm>> -> memref<1x160x125xi32, #tpu.memory_space<hbm>>
      %dma_start3A_86 = tpu.memref_squeeze %dma_start3A_85 : memref<1x160x125xi32, #tpu.memory_space<hbm>> -> memref<160x125xi32, #tpu.memory_space<hbm>>
      tpu.enqueue_dma source(%dma_start3A_86 : memref<160x125xi32, #tpu.memory_space<hbm>>) target(%arg8 : memref<160x125xi32, #tpu.memory_space<vmem>>) target_semaphore(%run_scoped3A : memref<!tpu.dma_semaphore, #tpu.memory_space<semaphore_mem>>)
      %dma_wait3A_87 = arith.constant 0 : i32
      %dma_wait3A_88 = arith.constant 0 : i32
      %dma_wait3A_89 = tpu.memref_slice %arg3[%add3A, %dma_wait3A_87, %dma_wait3A_88] : memref<32x160x125xi32, #tpu.memory_space<hbm>> -> memref<1x160x125xi32, #tpu.memory_space<hbm>>
      %dma_wait3A_90 = tpu.memref_squeeze %dma_wait3A_89 : memref<1x160x125xi32, #tpu.memory_space<hbm>> -> memref<160x125xi32, #tpu.memory_space<hbm>>
      %dma_wait3A_91 = arith.constant 0 : i32
      %dma_wait3A_92 = arith.constant 0 : i32
      %dma_wait3A_93 = tpu.memref_slice %arg3[%add3A, %dma_wait3A_91, %dma_wait3A_92] : memref<32x160x125xi32, #tpu.memory_space<hbm>> -> memref<1x160x125xi32, #tpu.memory_space<hbm>>
      %dma_wait3A_94 = tpu.memref_squeeze %dma_wait3A_93 : memref<1x160x125xi32, #tpu.memory_space<hbm>> -> memref<160x125xi32, #tpu.memory_space<hbm>>
      tpu.wait_dma2 semaphore(%run_scoped3A : memref<!tpu.dma_semaphore, #tpu.memory_space<semaphore_mem>>) src(%dma_wait3A_94 : memref<160x125xi32, #tpu.memory_space<hbm>>) dst(%arg8 : memref<160x125xi32, #tpu.memory_space<vmem>>)
      tpu.yield
    }) : () -> ()
    %barrier3A = arith.constant 0 : index
    tpu.barrier barrier_id(%barrier3A)
    %dma_start3A = arith.constant 0 : i32
    %dma_start3A_3 = arith.constant 0 : i32
    %dma_start3A_4 = arith.constant 0 : i32
    %dma_start3A_5 = arith.constant 0 : i32
    %dma_start3A_6 = tpu.memref_slice %arg9[%dma_start3A_3, %dma_start3A_4, %dma_start3A_5] : memref<6x125x16xf32, #tpu.memory_space<vmem>> -> memref<1x125x16xf32, #tpu.memory_space<vmem>>
    %dma_start3A_7 = tpu.memref_squeeze %dma_start3A_6 : memref<1x125x16xf32, #tpu.memory_space<vmem>> -> memref<125x16xf32, #tpu.memory_space<vmem>>
    %dma_start3A_8 = arith.constant 0 : i32
    %dma_start3A_9 = tpu.memref_slice %arg7[%dma_start3A, %dma_start3A_8] : memref<160x125xi32, #tpu.memory_space<vmem>> -> memref<1x125xi32, #tpu.memory_space<vmem>>
    %dma_start3A_10 = tpu.memref_squeeze %dma_start3A_9 : memref<1x125xi32, #tpu.memory_space<vmem>> -> memref<125xi32, #tpu.memory_space<vmem>>
    %dma_start3A_11 = arith.constant 0 : i32
    %dma_start3A_12 = arith.constant 0 : i32
    %dma_start3A_13 = tpu.memref_slice %arg11[%dma_start3A_11, %dma_start3A_12] : memref<10240x16xf32, #tpu.memory_space<vmem_shared>> -> memref<10240x16xf32, #tpu.memory_space<vmem_shared>>
    tpu.enqueue_indirect_dma source(%dma_start3A_13 : memref<10240x16xf32, #tpu.memory_space<vmem_shared>>) target(%dma_start3A_7 : memref<125x16xf32, #tpu.memory_space<vmem>>) offsets(%dma_start3A_10 : memref<125xi32, #tpu.memory_space<vmem>>) semaphore(%arg12 : memref<!tpu.dma_semaphore, #tpu.memory_space<semaphore_mem>>)
    %dma_start3A_14 = arith.constant 1 : i32
    %dma_start3A_15 = arith.constant 1 : i32
    %dma_start3A_16 = arith.constant 0 : i32
    %dma_start3A_17 = arith.constant 0 : i32
    %dma_start3A_18 = tpu.memref_slice %arg9[%dma_start3A_15, %dma_start3A_16, %dma_start3A_17] : memref<6x125x16xf32, #tpu.memory_space<vmem>> -> memref<1x125x16xf32, #tpu.memory_space<vmem>>
    %dma_start3A_19 = tpu.memref_squeeze %dma_start3A_18 : memref<1x125x16xf32, #tpu.memory_space<vmem>> -> memref<125x16xf32, #tpu.memory_space<vmem>>
    %dma_start3A_20 = arith.constant 0 : i32
    %dma_start3A_21 = tpu.memref_slice %arg7[%dma_start3A_14, %dma_start3A_20] : memref<160x125xi32, #tpu.memory_space<vmem>> -> memref<1x125xi32, #tpu.memory_space<vmem>>
    %dma_start3A_22 = tpu.memref_squeeze %dma_start3A_21 : memref<1x125xi32, #tpu.memory_space<vmem>> -> memref<125xi32, #tpu.memory_space<vmem>>
    %dma_start3A_23 = arith.constant 0 : i32
    %dma_start3A_24 = arith.constant 0 : i32
    %dma_start3A_25 = tpu.memref_slice %arg11[%dma_start3A_23, %dma_start3A_24] : memref<10240x16xf32, #tpu.memory_space<vmem_shared>> -> memref<10240x16xf32, #tpu.memory_space<vmem_shared>>
    tpu.enqueue_indirect_dma source(%dma_start3A_25 : memref<10240x16xf32, #tpu.memory_space<vmem_shared>>) target(%dma_start3A_19 : memref<125x16xf32, #tpu.memory_space<vmem>>) offsets(%dma_start3A_22 : memref<125xi32, #tpu.memory_space<vmem>>) semaphore(%arg12 : memref<!tpu.dma_semaphore, #tpu.memory_space<semaphore_mem>>)
    %dma_start3A_26 = arith.constant 2 : i32
    %dma_start3A_27 = arith.constant 2 : i32
    %dma_start3A_28 = arith.constant 0 : i32
    %dma_start3A_29 = arith.constant 0 : i32
    %dma_start3A_30 = tpu.memref_slice %arg9[%dma_start3A_27, %dma_start3A_28, %dma_start3A_29] : memref<6x125x16xf32, #tpu.memory_space<vmem>> -> memref<1x125x16xf32, #tpu.memory_space<vmem>>
    %dma_start3A_31 = tpu.memref_squeeze %dma_start3A_30 : memref<1x125x16xf32, #tpu.memory_space<vmem>> -> memref<125x16xf32, #tpu.memory_space<vmem>>
    %dma_start3A_32 = arith.constant 0 : i32
    %dma_start3A_33 = tpu.memref_slice %arg7[%dma_start3A_26, %dma_start3A_32] : memref<160x125xi32, #tpu.memory_space<vmem>> -> memref<1x125xi32, #tpu.memory_space<vmem>>
    %dma_start3A_34 = tpu.memref_squeeze %dma_start3A_33 : memref<1x125xi32, #tpu.memory_space<vmem>> -> memref<125xi32, #tpu.memory_space<vmem>>
    %dma_start3A_35 = arith.constant 0 : i32
    %dma_start3A_36 = arith.constant 0 : i32
    %dma_start3A_37 = tpu.memref_slice %arg11[%dma_start3A_35, %dma_start3A_36] : memref<10240x16xf32, #tpu.memory_space<vmem_shared>> -> memref<10240x16xf32, #tpu.memory_space<vmem_shared>>
    tpu.enqueue_indirect_dma source(%dma_start3A_37 : memref<10240x16xf32, #tpu.memory_space<vmem_shared>>) target(%dma_start3A_31 : memref<125x16xf32, #tpu.memory_space<vmem>>) offsets(%dma_start3A_34 : memref<125xi32, #tpu.memory_space<vmem>>) semaphore(%arg12 : memref<!tpu.dma_semaphore, #tpu.memory_space<semaphore_mem>>)
    %scan3A = arith.constant 0 : i32
    %scan3A_38 = arith.constant 0 : i32
    %scan3A_39 = arith.constant 160 : i32
    %scan3A_40 = arith.addi %scan3A_38, %scan3A_39 : i32
    %scan3A_41 = arith.constant 1 : i32
    scf.for %scan3A_79 = %scan3A_38 to %scan3A_40 step %scan3A_41  : i32 {
      %rem3A = arith.constant 6 : i32
      %rem3A_80 = arith.remsi %scan3A_79, %rem3A : i32
      %dma_wait3A_81 = arith.constant 0 : i32
      %dma_wait3A_82 = arith.constant 0 : i32
      %dma_wait3A_83 = tpu.memref_slice %arg9[%rem3A_80, %dma_wait3A_81, %dma_wait3A_82] : memref<6x125x16xf32, #tpu.memory_space<vmem>> -> memref<1x125x16xf32, #tpu.memory_space<vmem>>
      %dma_wait3A_84 = tpu.memref_squeeze %dma_wait3A_83 : memref<1x125x16xf32, #tpu.memory_space<vmem>> -> memref<125x16xf32, #tpu.memory_space<vmem>>
      %dma_wait3A_85 = arith.constant 0 : i32
      %dma_wait3A_86 = tpu.memref_slice %arg7[%scan3A_79, %dma_wait3A_85] : memref<160x125xi32, #tpu.memory_space<vmem>> -> memref<1x125xi32, #tpu.memory_space<vmem>>
      %dma_wait3A_87 = tpu.memref_squeeze %dma_wait3A_86 : memref<1x125xi32, #tpu.memory_space<vmem>> -> memref<125xi32, #tpu.memory_space<vmem>>
      %dma_wait3A_88 = arith.constant 0 : i32
      %dma_wait3A_89 = arith.constant 0 : i32
      %dma_wait3A_90 = tpu.memref_slice %arg11[%dma_wait3A_88, %dma_wait3A_89] : memref<10240x16xf32, #tpu.memory_space<vmem_shared>> -> memref<10240x16xf32, #tpu.memory_space<vmem_shared>>
      tpu.wait_indirect_dma semaphore(%arg12 : memref<!tpu.dma_semaphore, #tpu.memory_space<semaphore_mem>>) src(%dma_wait3A_90 : memref<10240x16xf32, #tpu.memory_space<vmem_shared>>) dst(%dma_wait3A_84 : memref<125x16xf32, #tpu.memory_space<vmem>>)
      %dma_start3A_91 = arith.constant 0 : i32
      %dma_start3A_92 = arith.constant 0 : i32
      %dma_start3A_93 = tpu.memref_slice %arg9[%rem3A_80, %dma_start3A_91, %dma_start3A_92] : memref<6x125x16xf32, #tpu.memory_space<vmem>> -> memref<1x125x16xf32, #tpu.memory_space<vmem>>
      %dma_start3A_94 = tpu.memref_squeeze %dma_start3A_93 : memref<1x125x16xf32, #tpu.memory_space<vmem>> -> memref<125x16xf32, #tpu.memory_space<vmem>>
      %dma_start3A_95 = arith.constant 0 : i32
      %dma_start3A_96 = tpu.memref_slice %arg8[%scan3A_79, %dma_start3A_95] : memref<160x125xi32, #tpu.memory_space<vmem>> -> memref<1x125xi32, #tpu.memory_space<vmem>>
      %dma_start3A_97 = tpu.memref_squeeze %dma_start3A_96 : memref<1x125xi32, #tpu.memory_space<vmem>> -> memref<125xi32, #tpu.memory_space<vmem>>
      %dma_start3A_98 = arith.constant 0 : i32
      %dma_start3A_99 = arith.constant 0 : i32
      %dma_start3A_100 = tpu.memref_slice %arg10[%dma_start3A_98, %dma_start3A_99] : memref<10240x16xf32, #tpu.memory_space<vmem_shared>> -> memref<10240x16xf32, #tpu.memory_space<vmem_shared>>
      tpu.enqueue_indirect_dma source(%dma_start3A_94 : memref<125x16xf32, #tpu.memory_space<vmem>>) target(%dma_start3A_100 : memref<10240x16xf32, #tpu.memory_space<vmem_shared>>) offsets(%dma_start3A_97 : memref<125xi32, #tpu.memory_space<vmem>>) semaphore(%arg13 : memref<!tpu.dma_semaphore, #tpu.memory_space<semaphore_mem>>) {add = true}
      %ge3A = arith.constant 3 : i32
      %ge3A_101 = arith.cmpi sge, %scan3A_79, %ge3A : i32
      %convert_element_type3A = arith.extui %ge3A_101 : i1 to i32
      %cond3A = arith.constant 0 : i32
      %cond3A_102 = arith.cmpi ne, %convert_element_type3A, %cond3A : i32
      scf.if %cond3A_102 {
        %dma_wait3A_109 = arith.constant 0 : i32
        %dma_wait3A_110 = arith.constant 0 : i32
        %dma_wait3A_111 = arith.constant 0 : i32
        %dma_wait3A_112 = arith.constant 0 : i32
        %dma_wait3A_113 = tpu.memref_slice %arg9[%dma_wait3A_109, %dma_wait3A_111, %dma_wait3A_112] : memref<6x125x16xf32, #tpu.memory_space<vmem>> -> memref<1x125x16xf32, #tpu.memory_space<vmem>>
        %dma_wait3A_114 = tpu.memref_squeeze %dma_wait3A_113 : memref<1x125x16xf32, #tpu.memory_space<vmem>> -> memref<125x16xf32, #tpu.memory_space<vmem>>
        %dma_wait3A_115 = arith.constant 0 : i32
        %dma_wait3A_116 = tpu.memref_slice %arg8[%dma_wait3A_110, %dma_wait3A_115] : memref<160x125xi32, #tpu.memory_space<vmem>> -> memref<1x125xi32, #tpu.memory_space<vmem>>
        %dma_wait3A_117 = tpu.memref_squeeze %dma_wait3A_116 : memref<1x125xi32, #tpu.memory_space<vmem>> -> memref<125xi32, #tpu.memory_space<vmem>>
        %dma_wait3A_118 = arith.constant 0 : i32
        %dma_wait3A_119 = arith.constant 0 : i32
        %dma_wait3A_120 = tpu.memref_slice %arg10[%dma_wait3A_118, %dma_wait3A_119] : memref<10240x16xf32, #tpu.memory_space<vmem_shared>> -> memref<10240x16xf32, #tpu.memory_space<vmem_shared>>
        tpu.wait_indirect_dma semaphore(%arg13 : memref<!tpu.dma_semaphore, #tpu.memory_space<semaphore_mem>>) src(%dma_wait3A_114 : memref<125x16xf32, #tpu.memory_space<vmem>>) dst(%dma_wait3A_120 : memref<10240x16xf32, #tpu.memory_space<vmem_shared>>)
      } else {
      }
      %add3A_103 = arith.constant 3 : i32
      %add3A_104 = arith.addi %scan3A_79, %add3A_103 : i32
      %lt3A = arith.constant 160 : i32
      %lt3A_105 = arith.cmpi slt, %add3A_104, %lt3A : i32
      %convert_element_type3A_106 = arith.extui %lt3A_105 : i1 to i32
      %cond3A_107 = arith.constant 0 : i32
      %cond3A_108 = arith.cmpi ne, %convert_element_type3A_106, %cond3A_107 : i32
      scf.if %cond3A_108 {
        %add3A_109 = arith.constant 3 : i32
        %add3A_110 = arith.addi %scan3A_79, %add3A_109 : i32
        %add3A_111 = arith.constant 3 : i32
        %add3A_112 = arith.addi %scan3A_79, %add3A_111 : i32
        %rem3A_113 = arith.constant 6 : i32
        %rem3A_114 = arith.remsi %add3A_112, %rem3A_113 : i32
        %dma_start3A_115 = arith.constant 0 : i32
        %dma_start3A_116 = arith.constant 0 : i32
        %dma_start3A_117 = tpu.memref_slice %arg9[%rem3A_114, %dma_start3A_115, %dma_start3A_116] : memref<6x125x16xf32, #tpu.memory_space<vmem>> -> memref<1x125x16xf32, #tpu.memory_space<vmem>>
        %dma_start3A_118 = tpu.memref_squeeze %dma_start3A_117 : memref<1x125x16xf32, #tpu.memory_space<vmem>> -> memref<125x16xf32, #tpu.memory_space<vmem>>
        %dma_start3A_119 = arith.constant 0 : i32
        %dma_start3A_120 = tpu.memref_slice %arg7[%add3A_110, %dma_start3A_119] : memref<160x125xi32, #tpu.memory_space<vmem>> -> memref<1x125xi32, #tpu.memory_space<vmem>>
        %dma_start3A_121 = tpu.memref_squeeze %dma_start3A_120 : memref<1x125xi32, #tpu.memory_space<vmem>> -> memref<125xi32, #tpu.memory_space<vmem>>
        %dma_start3A_122 = arith.constant 0 : i32
        %dma_start3A_123 = arith.constant 0 : i32
        %dma_start3A_124 = tpu.memref_slice %arg11[%dma_start3A_122, %dma_start3A_123] : memref<10240x16xf32, #tpu.memory_space<vmem_shared>> -> memref<10240x16xf32, #tpu.memory_space<vmem_shared>>
        tpu.enqueue_indirect_dma source(%dma_start3A_124 : memref<10240x16xf32, #tpu.memory_space<vmem_shared>>) target(%dma_start3A_118 : memref<125x16xf32, #tpu.memory_space<vmem>>) offsets(%dma_start3A_121 : memref<125xi32, #tpu.memory_space<vmem>>) semaphore(%arg12 : memref<!tpu.dma_semaphore, #tpu.memory_space<semaphore_mem>>)
      } else {
      }
    }
    %scan3A_42 = arith.constant 160 : i32
    %dma_wait3A = arith.constant 0 : i32
    %dma_wait3A_43 = arith.constant 0 : i32
    %dma_wait3A_44 = arith.constant 0 : i32
    %dma_wait3A_45 = arith.constant 0 : i32
    %dma_wait3A_46 = tpu.memref_slice %arg9[%dma_wait3A, %dma_wait3A_44, %dma_wait3A_45] : memref<6x125x16xf32, #tpu.memory_space<vmem>> -> memref<1x125x16xf32, #tpu.memory_space<vmem>>
    %dma_wait3A_47 = tpu.memref_squeeze %dma_wait3A_46 : memref<1x125x16xf32, #tpu.memory_space<vmem>> -> memref<125x16xf32, #tpu.memory_space<vmem>>
    %dma_wait3A_48 = arith.constant 0 : i32
    %dma_wait3A_49 = tpu.memref_slice %arg8[%dma_wait3A_43, %dma_wait3A_48] : memref<160x125xi32, #tpu.memory_space<vmem>> -> memref<1x125xi32, #tpu.memory_space<vmem>>
    %dma_wait3A_50 = tpu.memref_squeeze %dma_wait3A_49 : memref<1x125xi32, #tpu.memory_space<vmem>> -> memref<125xi32, #tpu.memory_space<vmem>>
    %dma_wait3A_51 = arith.constant 0 : i32
    %dma_wait3A_52 = arith.constant 0 : i32
    %dma_wait3A_53 = tpu.memref_slice %arg10[%dma_wait3A_51, %dma_wait3A_52] : memref<10240x16xf32, #tpu.memory_space<vmem_shared>> -> memref<10240x16xf32, #tpu.memory_space<vmem_shared>>
    tpu.wait_indirect_dma semaphore(%arg13 : memref<!tpu.dma_semaphore, #tpu.memory_space<semaphore_mem>>) src(%dma_wait3A_47 : memref<125x16xf32, #tpu.memory_space<vmem>>) dst(%dma_wait3A_53 : memref<10240x16xf32, #tpu.memory_space<vmem_shared>>)
    %dma_wait3A_54 = arith.constant 0 : i32
    %dma_wait3A_55 = arith.constant 0 : i32
    %dma_wait3A_56 = arith.constant 0 : i32
    %dma_wait3A_57 = arith.constant 0 : i32
    %dma_wait3A_58 = tpu.memref_slice %arg9[%dma_wait3A_54, %dma_wait3A_56, %dma_wait3A_57] : memref<6x125x16xf32, #tpu.memory_space<vmem>> -> memref<1x125x16xf32, #tpu.memory_space<vmem>>
    %dma_wait3A_59 = tpu.memref_squeeze %dma_wait3A_58 : memref<1x125x16xf32, #tpu.memory_space<vmem>> -> memref<125x16xf32, #tpu.memory_space<vmem>>
    %dma_wait3A_60 = arith.constant 0 : i32
    %dma_wait3A_61 = tpu.memref_slice %arg8[%dma_wait3A_55, %dma_wait3A_60] : memref<160x125xi32, #tpu.memory_space<vmem>> -> memref<1x125xi32, #tpu.memory_space<vmem>>
    %dma_wait3A_62 = tpu.memref_squeeze %dma_wait3A_61 : memref<1x125xi32, #tpu.memory_space<vmem>> -> memref<125xi32, #tpu.memory_space<vmem>>
    %dma_wait3A_63 = arith.constant 0 : i32
    %dma_wait3A_64 = arith.constant 0 : i32
    %dma_wait3A_65 = tpu.memref_slice %arg10[%dma_wait3A_63, %dma_wait3A_64] : memref<10240x16xf32, #tpu.memory_space<vmem_shared>> -> memref<10240x16xf32, #tpu.memory_space<vmem_shared>>
    tpu.wait_indirect_dma semaphore(%arg13 : memref<!tpu.dma_semaphore, #tpu.memory_space<semaphore_mem>>) src(%dma_wait3A_59 : memref<125x16xf32, #tpu.memory_space<vmem>>) dst(%dma_wait3A_65 : memref<10240x16xf32, #tpu.memory_space<vmem_shared>>)
    %dma_wait3A_66 = arith.constant 0 : i32
    %dma_wait3A_67 = arith.constant 0 : i32
    %dma_wait3A_68 = arith.constant 0 : i32
    %dma_wait3A_69 = arith.constant 0 : i32
    %dma_wait3A_70 = tpu.memref_slice %arg9[%dma_wait3A_66, %dma_wait3A_68, %dma_wait3A_69] : memref<6x125x16xf32, #tpu.memory_space<vmem>> -> memref<1x125x16xf32, #tpu.memory_space<vmem>>
    %dma_wait3A_71 = tpu.memref_squeeze %dma_wait3A_70 : memref<1x125x16xf32, #tpu.memory_space<vmem>> -> memref<125x16xf32, #tpu.memory_space<vmem>>
    %dma_wait3A_72 = arith.constant 0 : i32
    %dma_wait3A_73 = tpu.memref_slice %arg8[%dma_wait3A_67, %dma_wait3A_72] : memref<160x125xi32, #tpu.memory_space<vmem>> -> memref<1x125xi32, #tpu.memory_space<vmem>>
    %dma_wait3A_74 = tpu.memref_squeeze %dma_wait3A_73 : memref<1x125xi32, #tpu.memory_space<vmem>> -> memref<125xi32, #tpu.memory_space<vmem>>
    %dma_wait3A_75 = arith.constant 0 : i32
    %dma_wait3A_76 = arith.constant 0 : i32
    %dma_wait3A_77 = tpu.memref_slice %arg10[%dma_wait3A_75, %dma_wait3A_76] : memref<10240x16xf32, #tpu.memory_space<vmem_shared>> -> memref<10240x16xf32, #tpu.memory_space<vmem_shared>>
    tpu.wait_indirect_dma semaphore(%arg13 : memref<!tpu.dma_semaphore, #tpu.memory_space<semaphore_mem>>) src(%dma_wait3A_71 : memref<125x16xf32, #tpu.memory_space<vmem>>) dst(%dma_wait3A_77 : memref<10240x16xf32, #tpu.memory_space<vmem_shared>>)
    %barrier3A_78 = arith.constant 0 : index
    tpu.barrier barrier_id(%barrier3A_78)
    "tpu.region"() ({
      %run_scoped3A = tpu.sem_alloc : memref<!tpu.dma_semaphore, #tpu.memory_space<semaphore_mem>>
      %dma_start3A_79 = arith.constant 0 : i32
      %dma_start3A_80 = tpu.memref_slice %arg6[%arg0, %multiple_of3A, %dma_start3A_79] : memref<2x10240x16xf32, #tpu.memory_space<hbm>> -> memref<1x640x16xf32, #tpu.memory_space<hbm>>
      %dma_start3A_81 = tpu.memref_squeeze %dma_start3A_80 : memref<1x640x16xf32, #tpu.memory_space<hbm>> -> memref<640x16xf32, #tpu.memory_space<hbm>>
      %dma_start3A_82 = arith.constant 0 : i32
      %dma_start3A_83 = tpu.memref_slice %arg10[%multiple_of3A, %dma_start3A_82] : memref<10240x16xf32, #tpu.memory_space<vmem_shared>> -> memref<640x16xf32, #tpu.memory_space<vmem_shared>>
      tpu.enqueue_dma source(%dma_start3A_83 : memref<640x16xf32, #tpu.memory_space<vmem_shared>>) target(%dma_start3A_81 : memref<640x16xf32, #tpu.memory_space<hbm>>) target_semaphore(%run_scoped3A : memref<!tpu.dma_semaphore, #tpu.memory_space<semaphore_mem>>)
      %dma_wait3A_84 = arith.constant 0 : i32
      %dma_wait3A_85 = tpu.memref_slice %arg6[%arg0, %multiple_of3A, %dma_wait3A_84] : memref<2x10240x16xf32, #tpu.memory_space<hbm>> -> memref<1x640x16xf32, #tpu.memory_space<hbm>>
      %dma_wait3A_86 = tpu.memref_squeeze %dma_wait3A_85 : memref<1x640x16xf32, #tpu.memory_space<hbm>> -> memref<640x16xf32, #tpu.memory_space<hbm>>
      %dma_wait3A_87 = arith.constant 0 : i32
      %dma_wait3A_88 = tpu.memref_slice %arg10[%multiple_of3A, %dma_wait3A_87] : memref<10240x16xf32, #tpu.memory_space<vmem_shared>> -> memref<640x16xf32, #tpu.memory_space<vmem_shared>>
      tpu.wait_dma2 semaphore(%run_scoped3A : memref<!tpu.dma_semaphore, #tpu.memory_space<semaphore_mem>>) src(%dma_wait3A_88 : memref<640x16xf32, #tpu.memory_space<vmem_shared>>) dst(%dma_wait3A_86 : memref<640x16xf32, #tpu.memory_space<hbm>>)
      tpu.yield
    }) : () -> ()
    return
  }
}

#map = affine_map<(d0, d1) -> (0, 0, 0)>
#map1 = affine_map<(d0, d1) -> (0, 0)>
module attributes {stable_mosaic.version = 14 : i64} {
  func.func @k(%arg0: i32, %arg1: i32, %arg2: memref<32x160x125xi32, #tpu.memory_space<hbm>>, %arg3: memref<32x160x125xi32, #tpu.memory_space<hbm>>, %arg4: memref<10240x16xf32, #tpu.memory_space<hbm>>, %arg5: memref<2x10240x8xf32, #tpu.memory_space<hbm>>, %arg6: memref<640x16xf32, #tpu.memory_space<hbm>>, %arg7: memref<2x10240x16xf32, #tpu.memory_space<hbm>>, %arg8: memref<10240x16xf32, #tpu.memory_space<hbm>>, %arg9: memref<160x125xi32, #tpu.memory_space<vmem>>, %arg10: memref<160x125xi32, #tpu.memory_space<vmem>>, %arg11: memref<6x125x16xf32, #tpu.memory_space<vmem>>, %arg12: memref<10240x16xf32, #tpu.memory_space<vmem_shared>>, %arg13: memref<10240x16xf32, #tpu.memory_space<vmem_shared>>, %arg14: memref<640x16xf32, #tpu.memory_space<vmem>>, %arg15: memref<640x8xf32, #tpu.memory_space<vmem>>, %arg16: memref<640x8xf32, #tpu.memory_space<vmem>>, %arg17: memref<16xf32, #tpu.memory_space<vmem>>, %arg18: memref<!tpu.dma_semaphore, #tpu.memory_space<semaphore_mem>>, %arg19: memref<!tpu.dma_semaphore, #tpu.memory_space<semaphore_mem>>) attributes {dimension_semantics = [#tpu.dimension_semantics<core_parallel>, #tpu.dimension_semantics<subcore_parallel>], iteration_bounds = array<i64: 2, 16>, scalar_prefetch = 0 : i64, scratch_operands = 11 : i64, tpu.core_type = #tpu.core_type<sc_vector_subcore>, window_params = [{transform_indices = #map}, {transform_indices = #map}, {transform_indices = #map1}, {transform_indices = #map}, {transform_indices = #map1}, {transform_indices = #map}, {transform_indices = #map1}]} {
    %mul3A = arith.constant 16 : i32
    %mul3A_0 = arith.muli %arg0, %mul3A : i32
    %add3A = arith.addi %mul3A_0, %arg1 : i32
    %mul3A_1 = arith.constant 640 : i32
    %mul3A_2 = arith.muli %arg1, %mul3A_1 : i32
    %multiple_of3A = tpu.assume_multiple %mul3A_2, 8 : i32
    "tpu.region"() ({
      %run_scoped3A_88 = tpu.sem_alloc : memref<!tpu.dma_semaphore, #tpu.memory_space<semaphore_mem>>
      %dma_start3A_89 = arith.constant 0 : i32
      %dma_start3A_90 = tpu.memref_slice %arg12[%multiple_of3A, %dma_start3A_89] : memref<10240x16xf32, #tpu.memory_space<vmem_shared>> -> memref<640x16xf32, #tpu.memory_space<vmem_shared>>
      tpu.enqueue_dma source(%arg6 : memref<640x16xf32, #tpu.memory_space<hbm>>) target(%dma_start3A_90 : memref<640x16xf32, #tpu.memory_space<vmem_shared>>) target_semaphore(%run_scoped3A_88 : memref<!tpu.dma_semaphore, #tpu.memory_space<semaphore_mem>>)
      %dma_wait3A_91 = arith.constant 0 : i32
      %dma_wait3A_92 = tpu.memref_slice %arg12[%multiple_of3A, %dma_wait3A_91] : memref<10240x16xf32, #tpu.memory_space<vmem_shared>> -> memref<640x16xf32, #tpu.memory_space<vmem_shared>>
      tpu.wait_dma2 semaphore(%run_scoped3A_88 : memref<!tpu.dma_semaphore, #tpu.memory_space<semaphore_mem>>) src(%arg6 : memref<640x16xf32, #tpu.memory_space<hbm>>) dst(%dma_wait3A_92 : memref<640x16xf32, #tpu.memory_space<vmem_shared>>)
      tpu.yield
    }) : () -> ()
    "tpu.region"() ({
      %run_scoped3A_88 = tpu.sem_alloc : memref<!tpu.dma_semaphore, #tpu.memory_space<semaphore_mem>>
      %dma_start3A_89 = arith.constant 0 : i32
      %dma_start3A_90 = tpu.memref_slice %arg4[%multiple_of3A, %dma_start3A_89] : memref<10240x16xf32, #tpu.memory_space<hbm>> -> memref<640x16xf32, #tpu.memory_space<hbm>>
      %dma_start3A_91 = arith.constant 0 : i32
      %dma_start3A_92 = tpu.memref_slice %arg4[%multiple_of3A, %dma_start3A_91] : memref<10240x16xf32, #tpu.memory_space<hbm>> -> memref<640x16xf32, #tpu.memory_space<hbm>>
      tpu.enqueue_dma source(%dma_start3A_92 : memref<640x16xf32, #tpu.memory_space<hbm>>) target(%arg14 : memref<640x16xf32, #tpu.memory_space<vmem>>) target_semaphore(%run_scoped3A_88 : memref<!tpu.dma_semaphore, #tpu.memory_space<semaphore_mem>>)
      %dma_wait3A_93 = arith.constant 0 : i32
      %dma_wait3A_94 = tpu.memref_slice %arg4[%multiple_of3A, %dma_wait3A_93] : memref<10240x16xf32, #tpu.memory_space<hbm>> -> memref<640x16xf32, #tpu.memory_space<hbm>>
      %dma_wait3A_95 = arith.constant 0 : i32
      %dma_wait3A_96 = tpu.memref_slice %arg4[%multiple_of3A, %dma_wait3A_95] : memref<10240x16xf32, #tpu.memory_space<hbm>> -> memref<640x16xf32, #tpu.memory_space<hbm>>
      tpu.wait_dma2 semaphore(%run_scoped3A_88 : memref<!tpu.dma_semaphore, #tpu.memory_space<semaphore_mem>>) src(%dma_wait3A_96 : memref<640x16xf32, #tpu.memory_space<hbm>>) dst(%arg14 : memref<640x16xf32, #tpu.memory_space<vmem>>)
      tpu.yield
    }) : () -> ()
    %run_scoped3A = arith.constant 0 : i32
    "tpu.region"() ({
      %run_scoped3A_88 = tpu.sem_alloc : memref<!tpu.dma_semaphore, #tpu.memory_space<semaphore_mem>>
      %dma_start3A_89 = arith.constant 0 : i32
      %dma_start3A_90 = tpu.memref_slice %arg5[%run_scoped3A, %multiple_of3A, %dma_start3A_89] : memref<2x10240x8xf32, #tpu.memory_space<hbm>> -> memref<1x640x8xf32, #tpu.memory_space<hbm>>
      %dma_start3A_91 = tpu.memref_squeeze %dma_start3A_90 : memref<1x640x8xf32, #tpu.memory_space<hbm>> -> memref<640x8xf32, #tpu.memory_space<hbm>>
      %dma_start3A_92 = arith.constant 0 : i32
      %dma_start3A_93 = tpu.memref_slice %arg5[%run_scoped3A, %multiple_of3A, %dma_start3A_92] : memref<2x10240x8xf32, #tpu.memory_space<hbm>> -> memref<1x640x8xf32, #tpu.memory_space<hbm>>
      %dma_start3A_94 = tpu.memref_squeeze %dma_start3A_93 : memref<1x640x8xf32, #tpu.memory_space<hbm>> -> memref<640x8xf32, #tpu.memory_space<hbm>>
      tpu.enqueue_dma source(%dma_start3A_94 : memref<640x8xf32, #tpu.memory_space<hbm>>) target(%arg15 : memref<640x8xf32, #tpu.memory_space<vmem>>) target_semaphore(%run_scoped3A_88 : memref<!tpu.dma_semaphore, #tpu.memory_space<semaphore_mem>>)
      %dma_wait3A_95 = arith.constant 0 : i32
      %dma_wait3A_96 = tpu.memref_slice %arg5[%run_scoped3A, %multiple_of3A, %dma_wait3A_95] : memref<2x10240x8xf32, #tpu.memory_space<hbm>> -> memref<1x640x8xf32, #tpu.memory_space<hbm>>
      %dma_wait3A_97 = tpu.memref_squeeze %dma_wait3A_96 : memref<1x640x8xf32, #tpu.memory_space<hbm>> -> memref<640x8xf32, #tpu.memory_space<hbm>>
      %dma_wait3A_98 = arith.constant 0 : i32
      %dma_wait3A_99 = tpu.memref_slice %arg5[%run_scoped3A, %multiple_of3A, %dma_wait3A_98] : memref<2x10240x8xf32, #tpu.memory_space<hbm>> -> memref<1x640x8xf32, #tpu.memory_space<hbm>>
      %dma_wait3A_100 = tpu.memref_squeeze %dma_wait3A_99 : memref<1x640x8xf32, #tpu.memory_space<hbm>> -> memref<640x8xf32, #tpu.memory_space<hbm>>
      tpu.wait_dma2 semaphore(%run_scoped3A_88 : memref<!tpu.dma_semaphore, #tpu.memory_space<semaphore_mem>>) src(%dma_wait3A_100 : memref<640x8xf32, #tpu.memory_space<hbm>>) dst(%arg15 : memref<640x8xf32, #tpu.memory_space<vmem>>)
      tpu.yield
    }) : () -> ()
    %run_scoped3A_3 = arith.constant 1 : i32
    "tpu.region"() ({
      %run_scoped3A_88 = tpu.sem_alloc : memref<!tpu.dma_semaphore, #tpu.memory_space<semaphore_mem>>
      %dma_start3A_89 = arith.constant 0 : i32
      %dma_start3A_90 = tpu.memref_slice %arg5[%run_scoped3A_3, %multiple_of3A, %dma_start3A_89] : memref<2x10240x8xf32, #tpu.memory_space<hbm>> -> memref<1x640x8xf32, #tpu.memory_space<hbm>>
      %dma_start3A_91 = tpu.memref_squeeze %dma_start3A_90 : memref<1x640x8xf32, #tpu.memory_space<hbm>> -> memref<640x8xf32, #tpu.memory_space<hbm>>
      %dma_start3A_92 = arith.constant 0 : i32
      %dma_start3A_93 = tpu.memref_slice %arg5[%run_scoped3A_3, %multiple_of3A, %dma_start3A_92] : memref<2x10240x8xf32, #tpu.memory_space<hbm>> -> memref<1x640x8xf32, #tpu.memory_space<hbm>>
      %dma_start3A_94 = tpu.memref_squeeze %dma_start3A_93 : memref<1x640x8xf32, #tpu.memory_space<hbm>> -> memref<640x8xf32, #tpu.memory_space<hbm>>
      tpu.enqueue_dma source(%dma_start3A_94 : memref<640x8xf32, #tpu.memory_space<hbm>>) target(%arg16 : memref<640x8xf32, #tpu.memory_space<vmem>>) target_semaphore(%run_scoped3A_88 : memref<!tpu.dma_semaphore, #tpu.memory_space<semaphore_mem>>)
      %dma_wait3A_95 = arith.constant 0 : i32
      %dma_wait3A_96 = tpu.memref_slice %arg5[%run_scoped3A_3, %multiple_of3A, %dma_wait3A_95] : memref<2x10240x8xf32, #tpu.memory_space<hbm>> -> memref<1x640x8xf32, #tpu.memory_space<hbm>>
      %dma_wait3A_97 = tpu.memref_squeeze %dma_wait3A_96 : memref<1x640x8xf32, #tpu.memory_space<hbm>> -> memref<640x8xf32, #tpu.memory_space<hbm>>
      %dma_wait3A_98 = arith.constant 0 : i32
      %dma_wait3A_99 = tpu.memref_slice %arg5[%run_scoped3A_3, %multiple_of3A, %dma_wait3A_98] : memref<2x10240x8xf32, #tpu.memory_space<hbm>> -> memref<1x640x8xf32, #tpu.memory_space<hbm>>
      %dma_wait3A_100 = tpu.memref_squeeze %dma_wait3A_99 : memref<1x640x8xf32, #tpu.memory_space<hbm>> -> memref<640x8xf32, #tpu.memory_space<hbm>>
      tpu.wait_dma2 semaphore(%run_scoped3A_88 : memref<!tpu.dma_semaphore, #tpu.memory_space<semaphore_mem>>) src(%dma_wait3A_100 : memref<640x8xf32, #tpu.memory_space<hbm>>) dst(%arg16 : memref<640x8xf32, #tpu.memory_space<vmem>>)
      tpu.yield
    }) : () -> ()
    %scan3A = arith.constant 0 : i32
    %scan3A_4 = arith.constant 0 : i32
    %scan3A_5 = arith.constant 40 : i32
    %scan3A_6 = arith.addi %scan3A_4, %scan3A_5 : i32
    %scan3A_7 = arith.constant 1 : i32
    scf.for %scan3A_88 = %scan3A_4 to %scan3A_6 step %scan3A_7  : i32 {
      %mul3A_89 = arith.constant 16 : i32
      %mul3A_90 = arith.muli %scan3A_88, %mul3A_89 : i32
      %iota3A = tpu.iota {dimensions = array<i32: 0>} : vector<16xi32>
      %add3A_91 = vector.broadcast %mul3A_90 : i32 to vector<16xi32>
      %add3A_92 = arith.addi %add3A_91, %iota3A : vector<16xi32>
      %broadcast_in_dim3A = arith.constant 0 : i32
      %broadcast_in_dim3A_93 = vector.broadcast %broadcast_in_dim3A : i32 to vector<16xi32>
      %gather3A = tpu.vector_load_idx %arg15[%add3A_92, %broadcast_in_dim3A_93] : memref<640x8xf32, #tpu.memory_space<vmem>>[vector<16xi32>, vector<16xi32>], vector<16xf32>,
      %gather3A_94 = tpu.vector_load_idx %arg16[%add3A_92, %broadcast_in_dim3A_93] : memref<640x8xf32, #tpu.memory_space<vmem>>[vector<16xi32>, vector<16xi32>], vector<16xf32>,
      %add3A_95 = arith.addf %gather3A, %gather3A_94 : vector<16xf32>
      %add3A_96 = arith.constant 1.000000e+00 : f32
      %add3A_97 = vector.broadcast %add3A_96 : f32 to vector<16xf32>
      %add3A_98 = arith.addf %add3A_95, %add3A_97 : vector<16xf32>
      %bitcast3A = vector.bitcast %add3A_98 : vector<16xf32> to vector<16xi32>
      %shift_right_arithmetic3A = arith.constant 1 : i32
      %shift_right_arithmetic3A_99 = vector.broadcast %shift_right_arithmetic3A : i32 to vector<16xi32>
      %shift_right_arithmetic3A_100 = arith.shrsi %bitcast3A, %shift_right_arithmetic3A_99 : vector<16xi32>
      %sub3A = arith.constant 1597463007 : i32
      %sub3A_101 = vector.broadcast %sub3A : i32 to vector<16xi32>
      %sub3A_102 = arith.subi %sub3A_101, %shift_right_arithmetic3A_100 : vector<16xi32>
      %bitcast3A_103 = vector.bitcast %sub3A_102 : vector<16xi32> to vector<16xf32>
      %mul3A_104 = arith.constant 5.000000e-01 : f32
      %mul3A_105 = vector.broadcast %mul3A_104 : f32 to vector<16xf32>
      %mul3A_106 = arith.mulf %mul3A_105, %add3A_98 : vector<16xf32>
      %mul3A_107 = arith.mulf %mul3A_106, %bitcast3A_103 : vector<16xf32>
      %mul3A_108 = arith.mulf %mul3A_107, %bitcast3A_103 : vector<16xf32>
      %sub3A_109 = arith.constant 1.500000e+00 : f32
      %sub3A_110 = vector.broadcast %sub3A_109 : f32 to vector<16xf32>
      %sub3A_111 = arith.subf %sub3A_110, %mul3A_108 : vector<16xf32>
      %mul3A_112 = arith.mulf %bitcast3A_103, %sub3A_111 : vector<16xf32>
      %mul3A_113 = arith.constant 5.000000e-01 : f32
      %mul3A_114 = vector.broadcast %mul3A_113 : f32 to vector<16xf32>
      %mul3A_115 = arith.mulf %mul3A_114, %add3A_98 : vector<16xf32>
      %mul3A_116 = arith.mulf %mul3A_115, %mul3A_112 : vector<16xf32>
      %mul3A_117 = arith.mulf %mul3A_116, %mul3A_112 : vector<16xf32>
      %sub3A_118 = arith.constant 1.500000e+00 : f32
      %sub3A_119 = vector.broadcast %sub3A_118 : f32 to vector<16xf32>
      %sub3A_120 = arith.subf %sub3A_119, %mul3A_117 : vector<16xf32>
      %mul3A_121 = arith.mulf %mul3A_112, %sub3A_120 : vector<16xf32>
      %mul3A_122 = arith.constant 5.000000e-01 : f32
      %mul3A_123 = vector.broadcast %mul3A_122 : f32 to vector<16xf32>
      %mul3A_124 = arith.mulf %mul3A_123, %add3A_98 : vector<16xf32>
      %mul3A_125 = arith.mulf %mul3A_124, %mul3A_121 : vector<16xf32>
      %mul3A_126 = arith.mulf %mul3A_125, %mul3A_121 : vector<16xf32>
      %sub3A_127 = arith.constant 1.500000e+00 : f32
      %sub3A_128 = vector.broadcast %sub3A_127 : f32 to vector<16xf32>
      %sub3A_129 = arith.subf %sub3A_128, %mul3A_126 : vector<16xf32>
      %mul3A_130 = arith.mulf %mul3A_121, %sub3A_129 : vector<16xf32>
      %swap3A = arith.constant 0 : index
      %swap3A_131 = tpu.vector_load %arg17[%swap3A] {strides = array<i32>} : memref<16xf32, #tpu.memory_space<vmem>>, vector<16xf32>,
      tpu.vector_store %arg17[%swap3A], %mul3A_130 {strides = array<i32>} : memref<16xf32, #tpu.memory_space<vmem>>, vector<16xf32>,
      %broadcast_in_dim3A_132 = arith.constant 0 : i32
      %broadcast_in_dim3A_133 = vector.broadcast %broadcast_in_dim3A_132 : i32 to vector<16xi32>
      %gather3A_134 = tpu.vector_load_idx %arg17[%broadcast_in_dim3A_133] : memref<16xf32, #tpu.memory_space<vmem>>[vector<16xi32>], vector<16xf32>,
      %mul3A_135 = arith.constant 16 : i32
      %mul3A_136 = arith.muli %scan3A_88, %mul3A_135 : i32
      %add3A_137 = arith.constant 0 : i32
      %add3A_138 = arith.addi %mul3A_136, %add3A_137 : i32
      %get3A = arith.index_cast %add3A_138 : i32 to index
      %get3A_139 = arith.constant 0 : index
      %get3A_140 = tpu.vector_load %arg14[%get3A, %get3A_139] {strides = array<i32>} : memref<640x16xf32, #tpu.memory_space<vmem>>, vector<16xf32>,
      %mul3A_141 = arith.mulf %get3A_140, %gather3A_134 : vector<16xf32>
      %mul3A_142 = arith.constant 16 : i32
      %mul3A_143 = arith.muli %scan3A_88, %mul3A_142 : i32
      %add3A_144 = arith.constant 0 : i32
      %add3A_145 = arith.addi %mul3A_143, %add3A_144 : i32
      %swap3A_146 = arith.index_cast %add3A_145 : i32 to index
      %swap3A_147 = arith.constant 0 : index
      %swap3A_148 = tpu.vector_load %arg14[%swap3A_146, %swap3A_147] {strides = array<i32>} : memref<640x16xf32, #tpu.memory_space<vmem>>, vector<16xf32>,
      tpu.vector_store %arg14[%swap3A_146, %swap3A_147], %mul3A_141 {strides = array<i32>} : memref<640x16xf32, #tpu.memory_space<vmem>>, vector<16xf32>,
      %broadcast_in_dim3A_149 = arith.constant 1 : i32
      %broadcast_in_dim3A_150 = vector.broadcast %broadcast_in_dim3A_149 : i32 to vector<16xi32>
      %gather3A_151 = tpu.vector_load_idx %arg17[%broadcast_in_dim3A_150] : memref<16xf32, #tpu.memory_space<vmem>>[vector<16xi32>], vector<16xf32>,
      %mul3A_152 = arith.constant 16 : i32
      %mul3A_153 = arith.muli %scan3A_88, %mul3A_152 : i32
      %add3A_154 = arith.constant 1 : i32
      %add3A_155 = arith.addi %mul3A_153, %add3A_154 : i32
      %get3A_156 = arith.index_cast %add3A_155 : i32 to index
      %get3A_157 = arith.constant 0 : index
      %get3A_158 = tpu.vector_load %arg14[%get3A_156, %get3A_157] {strides = array<i32>} : memref<640x16xf32, #tpu.memory_space<vmem>>, vector<16xf32>,
      %mul3A_159 = arith.mulf %get3A_158, %gather3A_151 : vector<16xf32>
      %mul3A_160 = arith.constant 16 : i32
      %mul3A_161 = arith.muli %scan3A_88, %mul3A_160 : i32
      %add3A_162 = arith.constant 1 : i32
      %add3A_163 = arith.addi %mul3A_161, %add3A_162 : i32
      %swap3A_164 = arith.index_cast %add3A_163 : i32 to index
      %swap3A_165 = arith.constant 0 : index
      %swap3A_166 = tpu.vector_load %arg14[%swap3A_164, %swap3A_165] {strides = array<i32>} : memref<640x16xf32, #tpu.memory_space<vmem>>, vector<16xf32>,
      tpu.vector_store %arg14[%swap3A_164, %swap3A_165], %mul3A_159 {strides = array<i32>} : memref<640x16xf32, #tpu.memory_space<vmem>>, vector<16xf32>,
      %broadcast_in_dim3A_167 = arith.constant 2 : i32
      %broadcast_in_dim3A_168 = vector.broadcast %broadcast_in_dim3A_167 : i32 to vector<16xi32>
      %gather3A_169 = tpu.vector_load_idx %arg17[%broadcast_in_dim3A_168] : memref<16xf32, #tpu.memory_space<vmem>>[vector<16xi32>], vector<16xf32>,
      %mul3A_170 = arith.constant 16 : i32
      %mul3A_171 = arith.muli %scan3A_88, %mul3A_170 : i32
      %add3A_172 = arith.constant 2 : i32
      %add3A_173 = arith.addi %mul3A_171, %add3A_172 : i32
      %get3A_174 = arith.index_cast %add3A_173 : i32 to index
      %get3A_175 = arith.constant 0 : index
      %get3A_176 = tpu.vector_load %arg14[%get3A_174, %get3A_175] {strides = array<i32>} : memref<640x16xf32, #tpu.memory_space<vmem>>, vector<16xf32>,
      %mul3A_177 = arith.mulf %get3A_176, %gather3A_169 : vector<16xf32>
      %mul3A_178 = arith.constant 16 : i32
      %mul3A_179 = arith.muli %scan3A_88, %mul3A_178 : i32
      %add3A_180 = arith.constant 2 : i32
      %add3A_181 = arith.addi %mul3A_179, %add3A_180 : i32
      %swap3A_182 = arith.index_cast %add3A_181 : i32 to index
      %swap3A_183 = arith.constant 0 : index
      %swap3A_184 = tpu.vector_load %arg14[%swap3A_182, %swap3A_183] {strides = array<i32>} : memref<640x16xf32, #tpu.memory_space<vmem>>, vector<16xf32>,
      tpu.vector_store %arg14[%swap3A_182, %swap3A_183], %mul3A_177 {strides = array<i32>} : memref<640x16xf32, #tpu.memory_space<vmem>>, vector<16xf32>,
      %broadcast_in_dim3A_185 = arith.constant 3 : i32
      %broadcast_in_dim3A_186 = vector.broadcast %broadcast_in_dim3A_185 : i32 to vector<16xi32>
      %gather3A_187 = tpu.vector_load_idx %arg17[%broadcast_in_dim3A_186] : memref<16xf32, #tpu.memory_space<vmem>>[vector<16xi32>], vector<16xf32>,
      %mul3A_188 = arith.constant 16 : i32
      %mul3A_189 = arith.muli %scan3A_88, %mul3A_188 : i32
      %add3A_190 = arith.constant 3 : i32
      %add3A_191 = arith.addi %mul3A_189, %add3A_190 : i32
      %get3A_192 = arith.index_cast %add3A_191 : i32 to index
      %get3A_193 = arith.constant 0 : index
      %get3A_194 = tpu.vector_load %arg14[%get3A_192, %get3A_193] {strides = array<i32>} : memref<640x16xf32, #tpu.memory_space<vmem>>, vector<16xf32>,
      %mul3A_195 = arith.mulf %get3A_194, %gather3A_187 : vector<16xf32>
      %mul3A_196 = arith.constant 16 : i32
      %mul3A_197 = arith.muli %scan3A_88, %mul3A_196 : i32
      %add3A_198 = arith.constant 3 : i32
      %add3A_199 = arith.addi %mul3A_197, %add3A_198 : i32
      %swap3A_200 = arith.index_cast %add3A_199 : i32 to index
      %swap3A_201 = arith.constant 0 : index
      %swap3A_202 = tpu.vector_load %arg14[%swap3A_200, %swap3A_201] {strides = array<i32>} : memref<640x16xf32, #tpu.memory_space<vmem>>, vector<16xf32>,
      tpu.vector_store %arg14[%swap3A_200, %swap3A_201], %mul3A_195 {strides = array<i32>} : memref<640x16xf32, #tpu.memory_space<vmem>>, vector<16xf32>,
      %broadcast_in_dim3A_203 = arith.constant 4 : i32
      %broadcast_in_dim3A_204 = vector.broadcast %broadcast_in_dim3A_203 : i32 to vector<16xi32>
      %gather3A_205 = tpu.vector_load_idx %arg17[%broadcast_in_dim3A_204] : memref<16xf32, #tpu.memory_space<vmem>>[vector<16xi32>], vector<16xf32>,
      %mul3A_206 = arith.constant 16 : i32
      %mul3A_207 = arith.muli %scan3A_88, %mul3A_206 : i32
      %add3A_208 = arith.constant 4 : i32
      %add3A_209 = arith.addi %mul3A_207, %add3A_208 : i32
      %get3A_210 = arith.index_cast %add3A_209 : i32 to index
      %get3A_211 = arith.constant 0 : index
      %get3A_212 = tpu.vector_load %arg14[%get3A_210, %get3A_211] {strides = array<i32>} : memref<640x16xf32, #tpu.memory_space<vmem>>, vector<16xf32>,
      %mul3A_213 = arith.mulf %get3A_212, %gather3A_205 : vector<16xf32>
      %mul3A_214 = arith.constant 16 : i32
      %mul3A_215 = arith.muli %scan3A_88, %mul3A_214 : i32
      %add3A_216 = arith.constant 4 : i32
      %add3A_217 = arith.addi %mul3A_215, %add3A_216 : i32
      %swap3A_218 = arith.index_cast %add3A_217 : i32 to index
      %swap3A_219 = arith.constant 0 : index
      %swap3A_220 = tpu.vector_load %arg14[%swap3A_218, %swap3A_219] {strides = array<i32>} : memref<640x16xf32, #tpu.memory_space<vmem>>, vector<16xf32>,
      tpu.vector_store %arg14[%swap3A_218, %swap3A_219], %mul3A_213 {strides = array<i32>} : memref<640x16xf32, #tpu.memory_space<vmem>>, vector<16xf32>,
      %broadcast_in_dim3A_221 = arith.constant 5 : i32
      %broadcast_in_dim3A_222 = vector.broadcast %broadcast_in_dim3A_221 : i32 to vector<16xi32>
      %gather3A_223 = tpu.vector_load_idx %arg17[%broadcast_in_dim3A_222] : memref<16xf32, #tpu.memory_space<vmem>>[vector<16xi32>], vector<16xf32>,
      %mul3A_224 = arith.constant 16 : i32
      %mul3A_225 = arith.muli %scan3A_88, %mul3A_224 : i32
      %add3A_226 = arith.constant 5 : i32
      %add3A_227 = arith.addi %mul3A_225, %add3A_226 : i32
      %get3A_228 = arith.index_cast %add3A_227 : i32 to index
      %get3A_229 = arith.constant 0 : index
      %get3A_230 = tpu.vector_load %arg14[%get3A_228, %get3A_229] {strides = array<i32>} : memref<640x16xf32, #tpu.memory_space<vmem>>, vector<16xf32>,
      %mul3A_231 = arith.mulf %get3A_230, %gather3A_223 : vector<16xf32>
      %mul3A_232 = arith.constant 16 : i32
      %mul3A_233 = arith.muli %scan3A_88, %mul3A_232 : i32
      %add3A_234 = arith.constant 5 : i32
      %add3A_235 = arith.addi %mul3A_233, %add3A_234 : i32
      %swap3A_236 = arith.index_cast %add3A_235 : i32 to index
      %swap3A_237 = arith.constant 0 : index
      %swap3A_238 = tpu.vector_load %arg14[%swap3A_236, %swap3A_237] {strides = array<i32>} : memref<640x16xf32, #tpu.memory_space<vmem>>, vector<16xf32>,
      tpu.vector_store %arg14[%swap3A_236, %swap3A_237], %mul3A_231 {strides = array<i32>} : memref<640x16xf32, #tpu.memory_space<vmem>>, vector<16xf32>,
      %broadcast_in_dim3A_239 = arith.constant 6 : i32
      %broadcast_in_dim3A_240 = vector.broadcast %broadcast_in_dim3A_239 : i32 to vector<16xi32>
      %gather3A_241 = tpu.vector_load_idx %arg17[%broadcast_in_dim3A_240] : memref<16xf32, #tpu.memory_space<vmem>>[vector<16xi32>], vector<16xf32>,
      %mul3A_242 = arith.constant 16 : i32
      %mul3A_243 = arith.muli %scan3A_88, %mul3A_242 : i32
      %add3A_244 = arith.constant 6 : i32
      %add3A_245 = arith.addi %mul3A_243, %add3A_244 : i32
      %get3A_246 = arith.index_cast %add3A_245 : i32 to index
      %get3A_247 = arith.constant 0 : index
      %get3A_248 = tpu.vector_load %arg14[%get3A_246, %get3A_247] {strides = array<i32>} : memref<640x16xf32, #tpu.memory_space<vmem>>, vector<16xf32>,
      %mul3A_249 = arith.mulf %get3A_248, %gather3A_241 : vector<16xf32>
      %mul3A_250 = arith.constant 16 : i32
      %mul3A_251 = arith.muli %scan3A_88, %mul3A_250 : i32
      %add3A_252 = arith.constant 6 : i32
      %add3A_253 = arith.addi %mul3A_251, %add3A_252 : i32
      %swap3A_254 = arith.index_cast %add3A_253 : i32 to index
      %swap3A_255 = arith.constant 0 : index
      %swap3A_256 = tpu.vector_load %arg14[%swap3A_254, %swap3A_255] {strides = array<i32>} : memref<640x16xf32, #tpu.memory_space<vmem>>, vector<16xf32>,
      tpu.vector_store %arg14[%swap3A_254, %swap3A_255], %mul3A_249 {strides = array<i32>} : memref<640x16xf32, #tpu.memory_space<vmem>>, vector<16xf32>,
      %broadcast_in_dim3A_257 = arith.constant 7 : i32
      %broadcast_in_dim3A_258 = vector.broadcast %broadcast_in_dim3A_257 : i32 to vector<16xi32>
      %gather3A_259 = tpu.vector_load_idx %arg17[%broadcast_in_dim3A_258] : memref<16xf32, #tpu.memory_space<vmem>>[vector<16xi32>], vector<16xf32>,
      %mul3A_260 = arith.constant 16 : i32
      %mul3A_261 = arith.muli %scan3A_88, %mul3A_260 : i32
      %add3A_262 = arith.constant 7 : i32
      %add3A_263 = arith.addi %mul3A_261, %add3A_262 : i32
      %get3A_264 = arith.index_cast %add3A_263 : i32 to index
      %get3A_265 = arith.constant 0 : index
      %get3A_266 = tpu.vector_load %arg14[%get3A_264, %get3A_265] {strides = array<i32>} : memref<640x16xf32, #tpu.memory_space<vmem>>, vector<16xf32>,
      %mul3A_267 = arith.mulf %get3A_266, %gather3A_259 : vector<16xf32>
      %mul3A_268 = arith.constant 16 : i32
      %mul3A_269 = arith.muli %scan3A_88, %mul3A_268 : i32
      %add3A_270 = arith.constant 7 : i32
      %add3A_271 = arith.addi %mul3A_269, %add3A_270 : i32
      %swap3A_272 = arith.index_cast %add3A_271 : i32 to index
      %swap3A_273 = arith.constant 0 : index
      %swap3A_274 = tpu.vector_load %arg14[%swap3A_272, %swap3A_273] {strides = array<i32>} : memref<640x16xf32, #tpu.memory_space<vmem>>, vector<16xf32>,
      tpu.vector_store %arg14[%swap3A_272, %swap3A_273], %mul3A_267 {strides = array<i32>} : memref<640x16xf32, #tpu.memory_space<vmem>>, vector<16xf32>,
      %broadcast_in_dim3A_275 = arith.constant 8 : i32
      %broadcast_in_dim3A_276 = vector.broadcast %broadcast_in_dim3A_275 : i32 to vector<16xi32>
      %gather3A_277 = tpu.vector_load_idx %arg17[%broadcast_in_dim3A_276] : memref<16xf32, #tpu.memory_space<vmem>>[vector<16xi32>], vector<16xf32>,
      %mul3A_278 = arith.constant 16 : i32
      %mul3A_279 = arith.muli %scan3A_88, %mul3A_278 : i32
      %add3A_280 = arith.constant 8 : i32
      %add3A_281 = arith.addi %mul3A_279, %add3A_280 : i32
      %get3A_282 = arith.index_cast %add3A_281 : i32 to index
      %get3A_283 = arith.constant 0 : index
      %get3A_284 = tpu.vector_load %arg14[%get3A_282, %get3A_283] {strides = array<i32>} : memref<640x16xf32, #tpu.memory_space<vmem>>, vector<16xf32>,
      %mul3A_285 = arith.mulf %get3A_284, %gather3A_277 : vector<16xf32>
      %mul3A_286 = arith.constant 16 : i32
      %mul3A_287 = arith.muli %scan3A_88, %mul3A_286 : i32
      %add3A_288 = arith.constant 8 : i32
      %add3A_289 = arith.addi %mul3A_287, %add3A_288 : i32
      %swap3A_290 = arith.index_cast %add3A_289 : i32 to index
      %swap3A_291 = arith.constant 0 : index
      %swap3A_292 = tpu.vector_load %arg14[%swap3A_290, %swap3A_291] {strides = array<i32>} : memref<640x16xf32, #tpu.memory_space<vmem>>, vector<16xf32>,
      tpu.vector_store %arg14[%swap3A_290, %swap3A_291], %mul3A_285 {strides = array<i32>} : memref<640x16xf32, #tpu.memory_space<vmem>>, vector<16xf32>,
      %broadcast_in_dim3A_293 = arith.constant 9 : i32
      %broadcast_in_dim3A_294 = vector.broadcast %broadcast_in_dim3A_293 : i32 to vector<16xi32>
      %gather3A_295 = tpu.vector_load_idx %arg17[%broadcast_in_dim3A_294] : memref<16xf32, #tpu.memory_space<vmem>>[vector<16xi32>], vector<16xf32>,
      %mul3A_296 = arith.constant 16 : i32
      %mul3A_297 = arith.muli %scan3A_88, %mul3A_296 : i32
      %add3A_298 = arith.constant 9 : i32
      %add3A_299 = arith.addi %mul3A_297, %add3A_298 : i32
      %get3A_300 = arith.index_cast %add3A_299 : i32 to index
      %get3A_301 = arith.constant 0 : index
      %get3A_302 = tpu.vector_load %arg14[%get3A_300, %get3A_301] {strides = array<i32>} : memref<640x16xf32, #tpu.memory_space<vmem>>, vector<16xf32>,
      %mul3A_303 = arith.mulf %get3A_302, %gather3A_295 : vector<16xf32>
      %mul3A_304 = arith.constant 16 : i32
      %mul3A_305 = arith.muli %scan3A_88, %mul3A_304 : i32
      %add3A_306 = arith.constant 9 : i32
      %add3A_307 = arith.addi %mul3A_305, %add3A_306 : i32
      %swap3A_308 = arith.index_cast %add3A_307 : i32 to index
      %swap3A_309 = arith.constant 0 : index
      %swap3A_310 = tpu.vector_load %arg14[%swap3A_308, %swap3A_309] {strides = array<i32>} : memref<640x16xf32, #tpu.memory_space<vmem>>, vector<16xf32>,
      tpu.vector_store %arg14[%swap3A_308, %swap3A_309], %mul3A_303 {strides = array<i32>} : memref<640x16xf32, #tpu.memory_space<vmem>>, vector<16xf32>,
      %broadcast_in_dim3A_311 = arith.constant 10 : i32
      %broadcast_in_dim3A_312 = vector.broadcast %broadcast_in_dim3A_311 : i32 to vector<16xi32>
      %gather3A_313 = tpu.vector_load_idx %arg17[%broadcast_in_dim3A_312] : memref<16xf32, #tpu.memory_space<vmem>>[vector<16xi32>], vector<16xf32>,
      %mul3A_314 = arith.constant 16 : i32
      %mul3A_315 = arith.muli %scan3A_88, %mul3A_314 : i32
      %add3A_316 = arith.constant 10 : i32
      %add3A_317 = arith.addi %mul3A_315, %add3A_316 : i32
      %get3A_318 = arith.index_cast %add3A_317 : i32 to index
      %get3A_319 = arith.constant 0 : index
      %get3A_320 = tpu.vector_load %arg14[%get3A_318, %get3A_319] {strides = array<i32>} : memref<640x16xf32, #tpu.memory_space<vmem>>, vector<16xf32>,
      %mul3A_321 = arith.mulf %get3A_320, %gather3A_313 : vector<16xf32>
      %mul3A_322 = arith.constant 16 : i32
      %mul3A_323 = arith.muli %scan3A_88, %mul3A_322 : i32
      %add3A_324 = arith.constant 10 : i32
      %add3A_325 = arith.addi %mul3A_323, %add3A_324 : i32
      %swap3A_326 = arith.index_cast %add3A_325 : i32 to index
      %swap3A_327 = arith.constant 0 : index
      %swap3A_328 = tpu.vector_load %arg14[%swap3A_326, %swap3A_327] {strides = array<i32>} : memref<640x16xf32, #tpu.memory_space<vmem>>, vector<16xf32>,
      tpu.vector_store %arg14[%swap3A_326, %swap3A_327], %mul3A_321 {strides = array<i32>} : memref<640x16xf32, #tpu.memory_space<vmem>>, vector<16xf32>,
      %broadcast_in_dim3A_329 = arith.constant 11 : i32
      %broadcast_in_dim3A_330 = vector.broadcast %broadcast_in_dim3A_329 : i32 to vector<16xi32>
      %gather3A_331 = tpu.vector_load_idx %arg17[%broadcast_in_dim3A_330] : memref<16xf32, #tpu.memory_space<vmem>>[vector<16xi32>], vector<16xf32>,
      %mul3A_332 = arith.constant 16 : i32
      %mul3A_333 = arith.muli %scan3A_88, %mul3A_332 : i32
      %add3A_334 = arith.constant 11 : i32
      %add3A_335 = arith.addi %mul3A_333, %add3A_334 : i32
      %get3A_336 = arith.index_cast %add3A_335 : i32 to index
      %get3A_337 = arith.constant 0 : index
      %get3A_338 = tpu.vector_load %arg14[%get3A_336, %get3A_337] {strides = array<i32>} : memref<640x16xf32, #tpu.memory_space<vmem>>, vector<16xf32>,
      %mul3A_339 = arith.mulf %get3A_338, %gather3A_331 : vector<16xf32>
      %mul3A_340 = arith.constant 16 : i32
      %mul3A_341 = arith.muli %scan3A_88, %mul3A_340 : i32
      %add3A_342 = arith.constant 11 : i32
      %add3A_343 = arith.addi %mul3A_341, %add3A_342 : i32
      %swap3A_344 = arith.index_cast %add3A_343 : i32 to index
      %swap3A_345 = arith.constant 0 : index
      %swap3A_346 = tpu.vector_load %arg14[%swap3A_344, %swap3A_345] {strides = array<i32>} : memref<640x16xf32, #tpu.memory_space<vmem>>, vector<16xf32>,
      tpu.vector_store %arg14[%swap3A_344, %swap3A_345], %mul3A_339 {strides = array<i32>} : memref<640x16xf32, #tpu.memory_space<vmem>>, vector<16xf32>,
      %broadcast_in_dim3A_347 = arith.constant 12 : i32
      %broadcast_in_dim3A_348 = vector.broadcast %broadcast_in_dim3A_347 : i32 to vector<16xi32>
      %gather3A_349 = tpu.vector_load_idx %arg17[%broadcast_in_dim3A_348] : memref<16xf32, #tpu.memory_space<vmem>>[vector<16xi32>], vector<16xf32>,
      %mul3A_350 = arith.constant 16 : i32
      %mul3A_351 = arith.muli %scan3A_88, %mul3A_350 : i32
      %add3A_352 = arith.constant 12 : i32
      %add3A_353 = arith.addi %mul3A_351, %add3A_352 : i32
      %get3A_354 = arith.index_cast %add3A_353 : i32 to index
      %get3A_355 = arith.constant 0 : index
      %get3A_356 = tpu.vector_load %arg14[%get3A_354, %get3A_355] {strides = array<i32>} : memref<640x16xf32, #tpu.memory_space<vmem>>, vector<16xf32>,
      %mul3A_357 = arith.mulf %get3A_356, %gather3A_349 : vector<16xf32>
      %mul3A_358 = arith.constant 16 : i32
      %mul3A_359 = arith.muli %scan3A_88, %mul3A_358 : i32
      %add3A_360 = arith.constant 12 : i32
      %add3A_361 = arith.addi %mul3A_359, %add3A_360 : i32
      %swap3A_362 = arith.index_cast %add3A_361 : i32 to index
      %swap3A_363 = arith.constant 0 : index
      %swap3A_364 = tpu.vector_load %arg14[%swap3A_362, %swap3A_363] {strides = array<i32>} : memref<640x16xf32, #tpu.memory_space<vmem>>, vector<16xf32>,
      tpu.vector_store %arg14[%swap3A_362, %swap3A_363], %mul3A_357 {strides = array<i32>} : memref<640x16xf32, #tpu.memory_space<vmem>>, vector<16xf32>,
      %broadcast_in_dim3A_365 = arith.constant 13 : i32
      %broadcast_in_dim3A_366 = vector.broadcast %broadcast_in_dim3A_365 : i32 to vector<16xi32>
      %gather3A_367 = tpu.vector_load_idx %arg17[%broadcast_in_dim3A_366] : memref<16xf32, #tpu.memory_space<vmem>>[vector<16xi32>], vector<16xf32>,
      %mul3A_368 = arith.constant 16 : i32
      %mul3A_369 = arith.muli %scan3A_88, %mul3A_368 : i32
      %add3A_370 = arith.constant 13 : i32
      %add3A_371 = arith.addi %mul3A_369, %add3A_370 : i32
      %get3A_372 = arith.index_cast %add3A_371 : i32 to index
      %get3A_373 = arith.constant 0 : index
      %get3A_374 = tpu.vector_load %arg14[%get3A_372, %get3A_373] {strides = array<i32>} : memref<640x16xf32, #tpu.memory_space<vmem>>, vector<16xf32>,
      %mul3A_375 = arith.mulf %get3A_374, %gather3A_367 : vector<16xf32>
      %mul3A_376 = arith.constant 16 : i32
      %mul3A_377 = arith.muli %scan3A_88, %mul3A_376 : i32
      %add3A_378 = arith.constant 13 : i32
      %add3A_379 = arith.addi %mul3A_377, %add3A_378 : i32
      %swap3A_380 = arith.index_cast %add3A_379 : i32 to index
      %swap3A_381 = arith.constant 0 : index
      %swap3A_382 = tpu.vector_load %arg14[%swap3A_380, %swap3A_381] {strides = array<i32>} : memref<640x16xf32, #tpu.memory_space<vmem>>, vector<16xf32>,
      tpu.vector_store %arg14[%swap3A_380, %swap3A_381], %mul3A_375 {strides = array<i32>} : memref<640x16xf32, #tpu.memory_space<vmem>>, vector<16xf32>,
      %broadcast_in_dim3A_383 = arith.constant 14 : i32
      %broadcast_in_dim3A_384 = vector.broadcast %broadcast_in_dim3A_383 : i32 to vector<16xi32>
      %gather3A_385 = tpu.vector_load_idx %arg17[%broadcast_in_dim3A_384] : memref<16xf32, #tpu.memory_space<vmem>>[vector<16xi32>], vector<16xf32>,
      %mul3A_386 = arith.constant 16 : i32
      %mul3A_387 = arith.muli %scan3A_88, %mul3A_386 : i32
      %add3A_388 = arith.constant 14 : i32
      %add3A_389 = arith.addi %mul3A_387, %add3A_388 : i32
      %get3A_390 = arith.index_cast %add3A_389 : i32 to index
      %get3A_391 = arith.constant 0 : index
      %get3A_392 = tpu.vector_load %arg14[%get3A_390, %get3A_391] {strides = array<i32>} : memref<640x16xf32, #tpu.memory_space<vmem>>, vector<16xf32>,
      %mul3A_393 = arith.mulf %get3A_392, %gather3A_385 : vector<16xf32>
      %mul3A_394 = arith.constant 16 : i32
      %mul3A_395 = arith.muli %scan3A_88, %mul3A_394 : i32
      %add3A_396 = arith.constant 14 : i32
      %add3A_397 = arith.addi %mul3A_395, %add3A_396 : i32
      %swap3A_398 = arith.index_cast %add3A_397 : i32 to index
      %swap3A_399 = arith.constant 0 : index
      %swap3A_400 = tpu.vector_load %arg14[%swap3A_398, %swap3A_399] {strides = array<i32>} : memref<640x16xf32, #tpu.memory_space<vmem>>, vector<16xf32>,
      tpu.vector_store %arg14[%swap3A_398, %swap3A_399], %mul3A_393 {strides = array<i32>} : memref<640x16xf32, #tpu.memory_space<vmem>>, vector<16xf32>,
      %broadcast_in_dim3A_401 = arith.constant 15 : i32
      %broadcast_in_dim3A_402 = vector.broadcast %broadcast_in_dim3A_401 : i32 to vector<16xi32>
      %gather3A_403 = tpu.vector_load_idx %arg17[%broadcast_in_dim3A_402] : memref<16xf32, #tpu.memory_space<vmem>>[vector<16xi32>], vector<16xf32>,
      %mul3A_404 = arith.constant 16 : i32
      %mul3A_405 = arith.muli %scan3A_88, %mul3A_404 : i32
      %add3A_406 = arith.constant 15 : i32
      %add3A_407 = arith.addi %mul3A_405, %add3A_406 : i32
      %get3A_408 = arith.index_cast %add3A_407 : i32 to index
      %get3A_409 = arith.constant 0 : index
      %get3A_410 = tpu.vector_load %arg14[%get3A_408, %get3A_409] {strides = array<i32>} : memref<640x16xf32, #tpu.memory_space<vmem>>, vector<16xf32>,
      %mul3A_411 = arith.mulf %get3A_410, %gather3A_403 : vector<16xf32>
      %mul3A_412 = arith.constant 16 : i32
      %mul3A_413 = arith.muli %scan3A_88, %mul3A_412 : i32
      %add3A_414 = arith.constant 15 : i32
      %add3A_415 = arith.addi %mul3A_413, %add3A_414 : i32
      %swap3A_416 = arith.index_cast %add3A_415 : i32 to index
      %swap3A_417 = arith.constant 0 : index
      %swap3A_418 = tpu.vector_load %arg14[%swap3A_416, %swap3A_417] {strides = array<i32>} : memref<640x16xf32, #tpu.memory_space<vmem>>, vector<16xf32>,
      tpu.vector_store %arg14[%swap3A_416, %swap3A_417], %mul3A_411 {strides = array<i32>} : memref<640x16xf32, #tpu.memory_space<vmem>>, vector<16xf32>,
    }
    %scan3A_8 = arith.constant 40 : i32
    "tpu.region"() ({
      %run_scoped3A_88 = tpu.sem_alloc : memref<!tpu.dma_semaphore, #tpu.memory_space<semaphore_mem>>
      %dma_start3A_89 = arith.constant 0 : i32
      %dma_start3A_90 = tpu.memref_slice %arg13[%multiple_of3A, %dma_start3A_89] : memref<10240x16xf32, #tpu.memory_space<vmem_shared>> -> memref<640x16xf32, #tpu.memory_space<vmem_shared>>
      %dma_start3A_91 = arith.constant 0 : i32
      %dma_start3A_92 = tpu.memref_slice %arg13[%multiple_of3A, %dma_start3A_91] : memref<10240x16xf32, #tpu.memory_space<vmem_shared>> -> memref<640x16xf32, #tpu.memory_space<vmem_shared>>
      tpu.enqueue_dma source(%arg14 : memref<640x16xf32, #tpu.memory_space<vmem>>) target(%dma_start3A_92 : memref<640x16xf32, #tpu.memory_space<vmem_shared>>) target_semaphore(%run_scoped3A_88 : memref<!tpu.dma_semaphore, #tpu.memory_space<semaphore_mem>>)
      %dma_wait3A_93 = arith.constant 0 : i32
      %dma_wait3A_94 = tpu.memref_slice %arg13[%multiple_of3A, %dma_wait3A_93] : memref<10240x16xf32, #tpu.memory_space<vmem_shared>> -> memref<640x16xf32, #tpu.memory_space<vmem_shared>>
      %dma_wait3A_95 = arith.constant 0 : i32
      %dma_wait3A_96 = tpu.memref_slice %arg13[%multiple_of3A, %dma_wait3A_95] : memref<10240x16xf32, #tpu.memory_space<vmem_shared>> -> memref<640x16xf32, #tpu.memory_space<vmem_shared>>
      tpu.wait_dma2 semaphore(%run_scoped3A_88 : memref<!tpu.dma_semaphore, #tpu.memory_space<semaphore_mem>>) src(%arg14 : memref<640x16xf32, #tpu.memory_space<vmem>>) dst(%dma_wait3A_96 : memref<640x16xf32, #tpu.memory_space<vmem_shared>>)
      tpu.yield
    }) : () -> ()
    %eq3A = arith.constant 0 : i32
    %eq3A_9 = arith.cmpi eq, %arg0, %eq3A : i32
    %convert_element_type3A = arith.extui %eq3A_9 : i1 to i32
    %cond3A = arith.constant 0 : i32
    %cond3A_10 = arith.cmpi ne, %convert_element_type3A, %cond3A : i32
    scf.if %cond3A_10 {
      "tpu.region"() ({
        %run_scoped3A_88 = tpu.sem_alloc : memref<!tpu.dma_semaphore, #tpu.memory_space<semaphore_mem>>
        %dma_start3A_89 = arith.constant 0 : i32
        %dma_start3A_90 = tpu.memref_slice %arg8[%multiple_of3A, %dma_start3A_89] : memref<10240x16xf32, #tpu.memory_space<hbm>> -> memref<640x16xf32, #tpu.memory_space<hbm>>
        %dma_start3A_91 = arith.constant 0 : i32
        %dma_start3A_92 = tpu.memref_slice %arg8[%multiple_of3A, %dma_start3A_91] : memref<10240x16xf32, #tpu.memory_space<hbm>> -> memref<640x16xf32, #tpu.memory_space<hbm>>
        tpu.enqueue_dma source(%arg14 : memref<640x16xf32, #tpu.memory_space<vmem>>) target(%dma_start3A_92 : memref<640x16xf32, #tpu.memory_space<hbm>>) target_semaphore(%run_scoped3A_88 : memref<!tpu.dma_semaphore, #tpu.memory_space<semaphore_mem>>)
        %dma_wait3A_93 = arith.constant 0 : i32
        %dma_wait3A_94 = tpu.memref_slice %arg8[%multiple_of3A, %dma_wait3A_93] : memref<10240x16xf32, #tpu.memory_space<hbm>> -> memref<640x16xf32, #tpu.memory_space<hbm>>
        %dma_wait3A_95 = arith.constant 0 : i32
        %dma_wait3A_96 = tpu.memref_slice %arg8[%multiple_of3A, %dma_wait3A_95] : memref<10240x16xf32, #tpu.memory_space<hbm>> -> memref<640x16xf32, #tpu.memory_space<hbm>>
        tpu.wait_dma2 semaphore(%run_scoped3A_88 : memref<!tpu.dma_semaphore, #tpu.memory_space<semaphore_mem>>) src(%arg14 : memref<640x16xf32, #tpu.memory_space<vmem>>) dst(%dma_wait3A_96 : memref<640x16xf32, #tpu.memory_space<hbm>>)
        tpu.yield
      }) : () -> ()
    } else {
    }
    "tpu.region"() ({
      %run_scoped3A_88 = tpu.sem_alloc : memref<!tpu.dma_semaphore, #tpu.memory_space<semaphore_mem>>
      %dma_start3A_89 = arith.constant 0 : i32
      %dma_start3A_90 = arith.constant 0 : i32
      %dma_start3A_91 = tpu.memref_slice %arg2[%add3A, %dma_start3A_89, %dma_start3A_90] : memref<32x160x125xi32, #tpu.memory_space<hbm>> -> memref<1x160x125xi32, #tpu.memory_space<hbm>>
      %dma_start3A_92 = tpu.memref_squeeze %dma_start3A_91 : memref<1x160x125xi32, #tpu.memory_space<hbm>> -> memref<160x125xi32, #tpu.memory_space<hbm>>
      %dma_start3A_93 = arith.constant 0 : i32
      %dma_start3A_94 = arith.constant 0 : i32
      %dma_start3A_95 = tpu.memref_slice %arg2[%add3A, %dma_start3A_93, %dma_start3A_94] : memref<32x160x125xi32, #tpu.memory_space<hbm>> -> memref<1x160x125xi32, #tpu.memory_space<hbm>>
      %dma_start3A_96 = tpu.memref_squeeze %dma_start3A_95 : memref<1x160x125xi32, #tpu.memory_space<hbm>> -> memref<160x125xi32, #tpu.memory_space<hbm>>
      tpu.enqueue_dma source(%dma_start3A_96 : memref<160x125xi32, #tpu.memory_space<hbm>>) target(%arg9 : memref<160x125xi32, #tpu.memory_space<vmem>>) target_semaphore(%run_scoped3A_88 : memref<!tpu.dma_semaphore, #tpu.memory_space<semaphore_mem>>)
      %dma_wait3A_97 = arith.constant 0 : i32
      %dma_wait3A_98 = arith.constant 0 : i32
      %dma_wait3A_99 = tpu.memref_slice %arg2[%add3A, %dma_wait3A_97, %dma_wait3A_98] : memref<32x160x125xi32, #tpu.memory_space<hbm>> -> memref<1x160x125xi32, #tpu.memory_space<hbm>>
      %dma_wait3A_100 = tpu.memref_squeeze %dma_wait3A_99 : memref<1x160x125xi32, #tpu.memory_space<hbm>> -> memref<160x125xi32, #tpu.memory_space<hbm>>
      %dma_wait3A_101 = arith.constant 0 : i32
      %dma_wait3A_102 = arith.constant 0 : i32
      %dma_wait3A_103 = tpu.memref_slice %arg2[%add3A, %dma_wait3A_101, %dma_wait3A_102] : memref<32x160x125xi32, #tpu.memory_space<hbm>> -> memref<1x160x125xi32, #tpu.memory_space<hbm>>
      %dma_wait3A_104 = tpu.memref_squeeze %dma_wait3A_103 : memref<1x160x125xi32, #tpu.memory_space<hbm>> -> memref<160x125xi32, #tpu.memory_space<hbm>>
      tpu.wait_dma2 semaphore(%run_scoped3A_88 : memref<!tpu.dma_semaphore, #tpu.memory_space<semaphore_mem>>) src(%dma_wait3A_104 : memref<160x125xi32, #tpu.memory_space<hbm>>) dst(%arg9 : memref<160x125xi32, #tpu.memory_space<vmem>>)
      tpu.yield
    }) : () -> ()
    "tpu.region"() ({
      %run_scoped3A_88 = tpu.sem_alloc : memref<!tpu.dma_semaphore, #tpu.memory_space<semaphore_mem>>
      %dma_start3A_89 = arith.constant 0 : i32
      %dma_start3A_90 = arith.constant 0 : i32
      %dma_start3A_91 = tpu.memref_slice %arg3[%add3A, %dma_start3A_89, %dma_start3A_90] : memref<32x160x125xi32, #tpu.memory_space<hbm>> -> memref<1x160x125xi32, #tpu.memory_space<hbm>>
      %dma_start3A_92 = tpu.memref_squeeze %dma_start3A_91 : memref<1x160x125xi32, #tpu.memory_space<hbm>> -> memref<160x125xi32, #tpu.memory_space<hbm>>
      %dma_start3A_93 = arith.constant 0 : i32
      %dma_start3A_94 = arith.constant 0 : i32
      %dma_start3A_95 = tpu.memref_slice %arg3[%add3A, %dma_start3A_93, %dma_start3A_94] : memref<32x160x125xi32, #tpu.memory_space<hbm>> -> memref<1x160x125xi32, #tpu.memory_space<hbm>>
      %dma_start3A_96 = tpu.memref_squeeze %dma_start3A_95 : memref<1x160x125xi32, #tpu.memory_space<hbm>> -> memref<160x125xi32, #tpu.memory_space<hbm>>
      tpu.enqueue_dma source(%dma_start3A_96 : memref<160x125xi32, #tpu.memory_space<hbm>>) target(%arg10 : memref<160x125xi32, #tpu.memory_space<vmem>>) target_semaphore(%run_scoped3A_88 : memref<!tpu.dma_semaphore, #tpu.memory_space<semaphore_mem>>)
      %dma_wait3A_97 = arith.constant 0 : i32
      %dma_wait3A_98 = arith.constant 0 : i32
      %dma_wait3A_99 = tpu.memref_slice %arg3[%add3A, %dma_wait3A_97, %dma_wait3A_98] : memref<32x160x125xi32, #tpu.memory_space<hbm>> -> memref<1x160x125xi32, #tpu.memory_space<hbm>>
      %dma_wait3A_100 = tpu.memref_squeeze %dma_wait3A_99 : memref<1x160x125xi32, #tpu.memory_space<hbm>> -> memref<160x125xi32, #tpu.memory_space<hbm>>
      %dma_wait3A_101 = arith.constant 0 : i32
      %dma_wait3A_102 = arith.constant 0 : i32
      %dma_wait3A_103 = tpu.memref_slice %arg3[%add3A, %dma_wait3A_101, %dma_wait3A_102] : memref<32x160x125xi32, #tpu.memory_space<hbm>> -> memref<1x160x125xi32, #tpu.memory_space<hbm>>
      %dma_wait3A_104 = tpu.memref_squeeze %dma_wait3A_103 : memref<1x160x125xi32, #tpu.memory_space<hbm>> -> memref<160x125xi32, #tpu.memory_space<hbm>>
      tpu.wait_dma2 semaphore(%run_scoped3A_88 : memref<!tpu.dma_semaphore, #tpu.memory_space<semaphore_mem>>) src(%dma_wait3A_104 : memref<160x125xi32, #tpu.memory_space<hbm>>) dst(%arg10 : memref<160x125xi32, #tpu.memory_space<vmem>>)
      tpu.yield
    }) : () -> ()
    %barrier3A = arith.constant 0 : index
    tpu.barrier barrier_id(%barrier3A)
    %dma_start3A = arith.constant 0 : i32
    %dma_start3A_11 = arith.constant 0 : i32
    %dma_start3A_12 = arith.constant 0 : i32
    %dma_start3A_13 = arith.constant 0 : i32
    %dma_start3A_14 = tpu.memref_slice %arg11[%dma_start3A_11, %dma_start3A_12, %dma_start3A_13] : memref<6x125x16xf32, #tpu.memory_space<vmem>> -> memref<1x125x16xf32, #tpu.memory_space<vmem>>
    %dma_start3A_15 = tpu.memref_squeeze %dma_start3A_14 : memref<1x125x16xf32, #tpu.memory_space<vmem>> -> memref<125x16xf32, #tpu.memory_space<vmem>>
    %dma_start3A_16 = arith.constant 0 : i32
    %dma_start3A_17 = tpu.memref_slice %arg9[%dma_start3A, %dma_start3A_16] : memref<160x125xi32, #tpu.memory_space<vmem>> -> memref<1x125xi32, #tpu.memory_space<vmem>>
    %dma_start3A_18 = tpu.memref_squeeze %dma_start3A_17 : memref<1x125xi32, #tpu.memory_space<vmem>> -> memref<125xi32, #tpu.memory_space<vmem>>
    %dma_start3A_19 = arith.constant 0 : i32
    %dma_start3A_20 = arith.constant 0 : i32
    %dma_start3A_21 = tpu.memref_slice %arg13[%dma_start3A_19, %dma_start3A_20] : memref<10240x16xf32, #tpu.memory_space<vmem_shared>> -> memref<10240x16xf32, #tpu.memory_space<vmem_shared>>
    tpu.enqueue_indirect_dma source(%dma_start3A_21 : memref<10240x16xf32, #tpu.memory_space<vmem_shared>>) target(%dma_start3A_15 : memref<125x16xf32, #tpu.memory_space<vmem>>) offsets(%dma_start3A_18 : memref<125xi32, #tpu.memory_space<vmem>>) semaphore(%arg18 : memref<!tpu.dma_semaphore, #tpu.memory_space<semaphore_mem>>)
    %dma_start3A_22 = arith.constant 1 : i32
    %dma_start3A_23 = arith.constant 1 : i32
    %dma_start3A_24 = arith.constant 0 : i32
    %dma_start3A_25 = arith.constant 0 : i32
    %dma_start3A_26 = tpu.memref_slice %arg11[%dma_start3A_23, %dma_start3A_24, %dma_start3A_25] : memref<6x125x16xf32, #tpu.memory_space<vmem>> -> memref<1x125x16xf32, #tpu.memory_space<vmem>>
    %dma_start3A_27 = tpu.memref_squeeze %dma_start3A_26 : memref<1x125x16xf32, #tpu.memory_space<vmem>> -> memref<125x16xf32, #tpu.memory_space<vmem>>
    %dma_start3A_28 = arith.constant 0 : i32
    %dma_start3A_29 = tpu.memref_slice %arg9[%dma_start3A_22, %dma_start3A_28] : memref<160x125xi32, #tpu.memory_space<vmem>> -> memref<1x125xi32, #tpu.memory_space<vmem>>
    %dma_start3A_30 = tpu.memref_squeeze %dma_start3A_29 : memref<1x125xi32, #tpu.memory_space<vmem>> -> memref<125xi32, #tpu.memory_space<vmem>>
    %dma_start3A_31 = arith.constant 0 : i32
    %dma_start3A_32 = arith.constant 0 : i32
    %dma_start3A_33 = tpu.memref_slice %arg13[%dma_start3A_31, %dma_start3A_32] : memref<10240x16xf32, #tpu.memory_space<vmem_shared>> -> memref<10240x16xf32, #tpu.memory_space<vmem_shared>>
    tpu.enqueue_indirect_dma source(%dma_start3A_33 : memref<10240x16xf32, #tpu.memory_space<vmem_shared>>) target(%dma_start3A_27 : memref<125x16xf32, #tpu.memory_space<vmem>>) offsets(%dma_start3A_30 : memref<125xi32, #tpu.memory_space<vmem>>) semaphore(%arg18 : memref<!tpu.dma_semaphore, #tpu.memory_space<semaphore_mem>>)
    %dma_start3A_34 = arith.constant 2 : i32
    %dma_start3A_35 = arith.constant 2 : i32
    %dma_start3A_36 = arith.constant 0 : i32
    %dma_start3A_37 = arith.constant 0 : i32
    %dma_start3A_38 = tpu.memref_slice %arg11[%dma_start3A_35, %dma_start3A_36, %dma_start3A_37] : memref<6x125x16xf32, #tpu.memory_space<vmem>> -> memref<1x125x16xf32, #tpu.memory_space<vmem>>
    %dma_start3A_39 = tpu.memref_squeeze %dma_start3A_38 : memref<1x125x16xf32, #tpu.memory_space<vmem>> -> memref<125x16xf32, #tpu.memory_space<vmem>>
    %dma_start3A_40 = arith.constant 0 : i32
    %dma_start3A_41 = tpu.memref_slice %arg9[%dma_start3A_34, %dma_start3A_40] : memref<160x125xi32, #tpu.memory_space<vmem>> -> memref<1x125xi32, #tpu.memory_space<vmem>>
    %dma_start3A_42 = tpu.memref_squeeze %dma_start3A_41 : memref<1x125xi32, #tpu.memory_space<vmem>> -> memref<125xi32, #tpu.memory_space<vmem>>
    %dma_start3A_43 = arith.constant 0 : i32
    %dma_start3A_44 = arith.constant 0 : i32
    %dma_start3A_45 = tpu.memref_slice %arg13[%dma_start3A_43, %dma_start3A_44] : memref<10240x16xf32, #tpu.memory_space<vmem_shared>> -> memref<10240x16xf32, #tpu.memory_space<vmem_shared>>
    tpu.enqueue_indirect_dma source(%dma_start3A_45 : memref<10240x16xf32, #tpu.memory_space<vmem_shared>>) target(%dma_start3A_39 : memref<125x16xf32, #tpu.memory_space<vmem>>) offsets(%dma_start3A_42 : memref<125xi32, #tpu.memory_space<vmem>>) semaphore(%arg18 : memref<!tpu.dma_semaphore, #tpu.memory_space<semaphore_mem>>)
    %scan3A_46 = arith.constant 0 : i32
    %scan3A_47 = arith.constant 0 : i32
    %scan3A_48 = arith.constant 160 : i32
    %scan3A_49 = arith.addi %scan3A_47, %scan3A_48 : i32
    %scan3A_50 = arith.constant 1 : i32
    scf.for %scan3A_88 = %scan3A_47 to %scan3A_49 step %scan3A_50  : i32 {
      %rem3A = arith.constant 6 : i32
      %rem3A_89 = arith.remsi %scan3A_88, %rem3A : i32
      %dma_wait3A_90 = arith.constant 0 : i32
      %dma_wait3A_91 = arith.constant 0 : i32
      %dma_wait3A_92 = tpu.memref_slice %arg11[%rem3A_89, %dma_wait3A_90, %dma_wait3A_91] : memref<6x125x16xf32, #tpu.memory_space<vmem>> -> memref<1x125x16xf32, #tpu.memory_space<vmem>>
      %dma_wait3A_93 = tpu.memref_squeeze %dma_wait3A_92 : memref<1x125x16xf32, #tpu.memory_space<vmem>> -> memref<125x16xf32, #tpu.memory_space<vmem>>
      %dma_wait3A_94 = arith.constant 0 : i32
      %dma_wait3A_95 = tpu.memref_slice %arg9[%scan3A_88, %dma_wait3A_94] : memref<160x125xi32, #tpu.memory_space<vmem>> -> memref<1x125xi32, #tpu.memory_space<vmem>>
      %dma_wait3A_96 = tpu.memref_squeeze %dma_wait3A_95 : memref<1x125xi32, #tpu.memory_space<vmem>> -> memref<125xi32, #tpu.memory_space<vmem>>
      %dma_wait3A_97 = arith.constant 0 : i32
      %dma_wait3A_98 = arith.constant 0 : i32
      %dma_wait3A_99 = tpu.memref_slice %arg13[%dma_wait3A_97, %dma_wait3A_98] : memref<10240x16xf32, #tpu.memory_space<vmem_shared>> -> memref<10240x16xf32, #tpu.memory_space<vmem_shared>>
      tpu.wait_indirect_dma semaphore(%arg18 : memref<!tpu.dma_semaphore, #tpu.memory_space<semaphore_mem>>) src(%dma_wait3A_99 : memref<10240x16xf32, #tpu.memory_space<vmem_shared>>) dst(%dma_wait3A_93 : memref<125x16xf32, #tpu.memory_space<vmem>>)
      %dma_start3A_100 = arith.constant 0 : i32
      %dma_start3A_101 = arith.constant 0 : i32
      %dma_start3A_102 = tpu.memref_slice %arg11[%rem3A_89, %dma_start3A_100, %dma_start3A_101] : memref<6x125x16xf32, #tpu.memory_space<vmem>> -> memref<1x125x16xf32, #tpu.memory_space<vmem>>
      %dma_start3A_103 = tpu.memref_squeeze %dma_start3A_102 : memref<1x125x16xf32, #tpu.memory_space<vmem>> -> memref<125x16xf32, #tpu.memory_space<vmem>>
      %dma_start3A_104 = arith.constant 0 : i32
      %dma_start3A_105 = tpu.memref_slice %arg10[%scan3A_88, %dma_start3A_104] : memref<160x125xi32, #tpu.memory_space<vmem>> -> memref<1x125xi32, #tpu.memory_space<vmem>>
      %dma_start3A_106 = tpu.memref_squeeze %dma_start3A_105 : memref<1x125xi32, #tpu.memory_space<vmem>> -> memref<125xi32, #tpu.memory_space<vmem>>
      %dma_start3A_107 = arith.constant 0 : i32
      %dma_start3A_108 = arith.constant 0 : i32
      %dma_start3A_109 = tpu.memref_slice %arg12[%dma_start3A_107, %dma_start3A_108] : memref<10240x16xf32, #tpu.memory_space<vmem_shared>> -> memref<10240x16xf32, #tpu.memory_space<vmem_shared>>
      tpu.enqueue_indirect_dma source(%dma_start3A_103 : memref<125x16xf32, #tpu.memory_space<vmem>>) target(%dma_start3A_109 : memref<10240x16xf32, #tpu.memory_space<vmem_shared>>) offsets(%dma_start3A_106 : memref<125xi32, #tpu.memory_space<vmem>>) semaphore(%arg19 : memref<!tpu.dma_semaphore, #tpu.memory_space<semaphore_mem>>) {add = true}
      %ge3A = arith.constant 3 : i32
      %ge3A_110 = arith.cmpi sge, %scan3A_88, %ge3A : i32
      %convert_element_type3A_111 = arith.extui %ge3A_110 : i1 to i32
      %cond3A_112 = arith.constant 0 : i32
      %cond3A_113 = arith.cmpi ne, %convert_element_type3A_111, %cond3A_112 : i32
      scf.if %cond3A_113 {
        %dma_wait3A_120 = arith.constant 0 : i32
        %dma_wait3A_121 = arith.constant 0 : i32
        %dma_wait3A_122 = arith.constant 0 : i32
        %dma_wait3A_123 = arith.constant 0 : i32
        %dma_wait3A_124 = tpu.memref_slice %arg11[%dma_wait3A_120, %dma_wait3A_122, %dma_wait3A_123] : memref<6x125x16xf32, #tpu.memory_space<vmem>> -> memref<1x125x16xf32, #tpu.memory_space<vmem>>
        %dma_wait3A_125 = tpu.memref_squeeze %dma_wait3A_124 : memref<1x125x16xf32, #tpu.memory_space<vmem>> -> memref<125x16xf32, #tpu.memory_space<vmem>>
        %dma_wait3A_126 = arith.constant 0 : i32
        %dma_wait3A_127 = tpu.memref_slice %arg10[%dma_wait3A_121, %dma_wait3A_126] : memref<160x125xi32, #tpu.memory_space<vmem>> -> memref<1x125xi32, #tpu.memory_space<vmem>>
        %dma_wait3A_128 = tpu.memref_squeeze %dma_wait3A_127 : memref<1x125xi32, #tpu.memory_space<vmem>> -> memref<125xi32, #tpu.memory_space<vmem>>
        %dma_wait3A_129 = arith.constant 0 : i32
        %dma_wait3A_130 = arith.constant 0 : i32
        %dma_wait3A_131 = tpu.memref_slice %arg12[%dma_wait3A_129, %dma_wait3A_130] : memref<10240x16xf32, #tpu.memory_space<vmem_shared>> -> memref<10240x16xf32, #tpu.memory_space<vmem_shared>>
        tpu.wait_indirect_dma semaphore(%arg19 : memref<!tpu.dma_semaphore, #tpu.memory_space<semaphore_mem>>) src(%dma_wait3A_125 : memref<125x16xf32, #tpu.memory_space<vmem>>) dst(%dma_wait3A_131 : memref<10240x16xf32, #tpu.memory_space<vmem_shared>>)
      } else {
      }
      %add3A_114 = arith.constant 3 : i32
      %add3A_115 = arith.addi %scan3A_88, %add3A_114 : i32
      %lt3A = arith.constant 160 : i32
      %lt3A_116 = arith.cmpi slt, %add3A_115, %lt3A : i32
      %convert_element_type3A_117 = arith.extui %lt3A_116 : i1 to i32
      %cond3A_118 = arith.constant 0 : i32
      %cond3A_119 = arith.cmpi ne, %convert_element_type3A_117, %cond3A_118 : i32
      scf.if %cond3A_119 {
        %add3A_120 = arith.constant 3 : i32
        %add3A_121 = arith.addi %scan3A_88, %add3A_120 : i32
        %add3A_122 = arith.constant 3 : i32
        %add3A_123 = arith.addi %scan3A_88, %add3A_122 : i32
        %rem3A_124 = arith.constant 6 : i32
        %rem3A_125 = arith.remsi %add3A_123, %rem3A_124 : i32
        %dma_start3A_126 = arith.constant 0 : i32
        %dma_start3A_127 = arith.constant 0 : i32
        %dma_start3A_128 = tpu.memref_slice %arg11[%rem3A_125, %dma_start3A_126, %dma_start3A_127] : memref<6x125x16xf32, #tpu.memory_space<vmem>> -> memref<1x125x16xf32, #tpu.memory_space<vmem>>
        %dma_start3A_129 = tpu.memref_squeeze %dma_start3A_128 : memref<1x125x16xf32, #tpu.memory_space<vmem>> -> memref<125x16xf32, #tpu.memory_space<vmem>>
        %dma_start3A_130 = arith.constant 0 : i32
        %dma_start3A_131 = tpu.memref_slice %arg9[%add3A_121, %dma_start3A_130] : memref<160x125xi32, #tpu.memory_space<vmem>> -> memref<1x125xi32, #tpu.memory_space<vmem>>
        %dma_start3A_132 = tpu.memref_squeeze %dma_start3A_131 : memref<1x125xi32, #tpu.memory_space<vmem>> -> memref<125xi32, #tpu.memory_space<vmem>>
        %dma_start3A_133 = arith.constant 0 : i32
        %dma_start3A_134 = arith.constant 0 : i32
        %dma_start3A_135 = tpu.memref_slice %arg13[%dma_start3A_133, %dma_start3A_134] : memref<10240x16xf32, #tpu.memory_space<vmem_shared>> -> memref<10240x16xf32, #tpu.memory_space<vmem_shared>>
        tpu.enqueue_indirect_dma source(%dma_start3A_135 : memref<10240x16xf32, #tpu.memory_space<vmem_shared>>) target(%dma_start3A_129 : memref<125x16xf32, #tpu.memory_space<vmem>>) offsets(%dma_start3A_132 : memref<125xi32, #tpu.memory_space<vmem>>) semaphore(%arg18 : memref<!tpu.dma_semaphore, #tpu.memory_space<semaphore_mem>>)
      } else {
      }
    }
    %scan3A_51 = arith.constant 160 : i32
    %dma_wait3A = arith.constant 0 : i32
    %dma_wait3A_52 = arith.constant 0 : i32
    %dma_wait3A_53 = arith.constant 0 : i32
    %dma_wait3A_54 = arith.constant 0 : i32
    %dma_wait3A_55 = tpu.memref_slice %arg11[%dma_wait3A, %dma_wait3A_53, %dma_wait3A_54] : memref<6x125x16xf32, #tpu.memory_space<vmem>> -> memref<1x125x16xf32, #tpu.memory_space<vmem>>
    %dma_wait3A_56 = tpu.memref_squeeze %dma_wait3A_55 : memref<1x125x16xf32, #tpu.memory_space<vmem>> -> memref<125x16xf32, #tpu.memory_space<vmem>>
    %dma_wait3A_57 = arith.constant 0 : i32
    %dma_wait3A_58 = tpu.memref_slice %arg10[%dma_wait3A_52, %dma_wait3A_57] : memref<160x125xi32, #tpu.memory_space<vmem>> -> memref<1x125xi32, #tpu.memory_space<vmem>>
    %dma_wait3A_59 = tpu.memref_squeeze %dma_wait3A_58 : memref<1x125xi32, #tpu.memory_space<vmem>> -> memref<125xi32, #tpu.memory_space<vmem>>
    %dma_wait3A_60 = arith.constant 0 : i32
    %dma_wait3A_61 = arith.constant 0 : i32
    %dma_wait3A_62 = tpu.memref_slice %arg12[%dma_wait3A_60, %dma_wait3A_61] : memref<10240x16xf32, #tpu.memory_space<vmem_shared>> -> memref<10240x16xf32, #tpu.memory_space<vmem_shared>>
    tpu.wait_indirect_dma semaphore(%arg19 : memref<!tpu.dma_semaphore, #tpu.memory_space<semaphore_mem>>) src(%dma_wait3A_56 : memref<125x16xf32, #tpu.memory_space<vmem>>) dst(%dma_wait3A_62 : memref<10240x16xf32, #tpu.memory_space<vmem_shared>>)
    %dma_wait3A_63 = arith.constant 0 : i32
    %dma_wait3A_64 = arith.constant 0 : i32
    %dma_wait3A_65 = arith.constant 0 : i32
    %dma_wait3A_66 = arith.constant 0 : i32
    %dma_wait3A_67 = tpu.memref_slice %arg11[%dma_wait3A_63, %dma_wait3A_65, %dma_wait3A_66] : memref<6x125x16xf32, #tpu.memory_space<vmem>> -> memref<1x125x16xf32, #tpu.memory_space<vmem>>
    %dma_wait3A_68 = tpu.memref_squeeze %dma_wait3A_67 : memref<1x125x16xf32, #tpu.memory_space<vmem>> -> memref<125x16xf32, #tpu.memory_space<vmem>>
    %dma_wait3A_69 = arith.constant 0 : i32
    %dma_wait3A_70 = tpu.memref_slice %arg10[%dma_wait3A_64, %dma_wait3A_69] : memref<160x125xi32, #tpu.memory_space<vmem>> -> memref<1x125xi32, #tpu.memory_space<vmem>>
    %dma_wait3A_71 = tpu.memref_squeeze %dma_wait3A_70 : memref<1x125xi32, #tpu.memory_space<vmem>> -> memref<125xi32, #tpu.memory_space<vmem>>
    %dma_wait3A_72 = arith.constant 0 : i32
    %dma_wait3A_73 = arith.constant 0 : i32
    %dma_wait3A_74 = tpu.memref_slice %arg12[%dma_wait3A_72, %dma_wait3A_73] : memref<10240x16xf32, #tpu.memory_space<vmem_shared>> -> memref<10240x16xf32, #tpu.memory_space<vmem_shared>>
    tpu.wait_indirect_dma semaphore(%arg19 : memref<!tpu.dma_semaphore, #tpu.memory_space<semaphore_mem>>) src(%dma_wait3A_68 : memref<125x16xf32, #tpu.memory_space<vmem>>) dst(%dma_wait3A_74 : memref<10240x16xf32, #tpu.memory_space<vmem_shared>>)
    %dma_wait3A_75 = arith.constant 0 : i32
    %dma_wait3A_76 = arith.constant 0 : i32
    %dma_wait3A_77 = arith.constant 0 : i32
    %dma_wait3A_78 = arith.constant 0 : i32
    %dma_wait3A_79 = tpu.memref_slice %arg11[%dma_wait3A_75, %dma_wait3A_77, %dma_wait3A_78] : memref<6x125x16xf32, #tpu.memory_space<vmem>> -> memref<1x125x16xf32, #tpu.memory_space<vmem>>
    %dma_wait3A_80 = tpu.memref_squeeze %dma_wait3A_79 : memref<1x125x16xf32, #tpu.memory_space<vmem>> -> memref<125x16xf32, #tpu.memory_space<vmem>>
    %dma_wait3A_81 = arith.constant 0 : i32
    %dma_wait3A_82 = tpu.memref_slice %arg10[%dma_wait3A_76, %dma_wait3A_81] : memref<160x125xi32, #tpu.memory_space<vmem>> -> memref<1x125xi32, #tpu.memory_space<vmem>>
    %dma_wait3A_83 = tpu.memref_squeeze %dma_wait3A_82 : memref<1x125xi32, #tpu.memory_space<vmem>> -> memref<125xi32, #tpu.memory_space<vmem>>
    %dma_wait3A_84 = arith.constant 0 : i32
    %dma_wait3A_85 = arith.constant 0 : i32
    %dma_wait3A_86 = tpu.memref_slice %arg12[%dma_wait3A_84, %dma_wait3A_85] : memref<10240x16xf32, #tpu.memory_space<vmem_shared>> -> memref<10240x16xf32, #tpu.memory_space<vmem_shared>>
    tpu.wait_indirect_dma semaphore(%arg19 : memref<!tpu.dma_semaphore, #tpu.memory_space<semaphore_mem>>) src(%dma_wait3A_80 : memref<125x16xf32, #tpu.memory_space<vmem>>) dst(%dma_wait3A_86 : memref<10240x16xf32, #tpu.memory_space<vmem_shared>>)
    %barrier3A_87 = arith.constant 0 : index
    tpu.barrier barrier_id(%barrier3A_87)
    "tpu.region"() ({
      %run_scoped3A_88 = tpu.sem_alloc : memref<!tpu.dma_semaphore, #tpu.memory_space<semaphore_mem>>
      %dma_start3A_89 = arith.constant 0 : i32
      %dma_start3A_90 = tpu.memref_slice %arg7[%arg0, %multiple_of3A, %dma_start3A_89] : memref<2x10240x16xf32, #tpu.memory_space<hbm>> -> memref<1x640x16xf32, #tpu.memory_space<hbm>>
      %dma_start3A_91 = tpu.memref_squeeze %dma_start3A_90 : memref<1x640x16xf32, #tpu.memory_space<hbm>> -> memref<640x16xf32, #tpu.memory_space<hbm>>
      %dma_start3A_92 = arith.constant 0 : i32
      %dma_start3A_93 = tpu.memref_slice %arg12[%multiple_of3A, %dma_start3A_92] : memref<10240x16xf32, #tpu.memory_space<vmem_shared>> -> memref<640x16xf32, #tpu.memory_space<vmem_shared>>
      tpu.enqueue_dma source(%dma_start3A_93 : memref<640x16xf32, #tpu.memory_space<vmem_shared>>) target(%dma_start3A_91 : memref<640x16xf32, #tpu.memory_space<hbm>>) target_semaphore(%run_scoped3A_88 : memref<!tpu.dma_semaphore, #tpu.memory_space<semaphore_mem>>)
      %dma_wait3A_94 = arith.constant 0 : i32
      %dma_wait3A_95 = tpu.memref_slice %arg7[%arg0, %multiple_of3A, %dma_wait3A_94] : memref<2x10240x16xf32, #tpu.memory_space<hbm>> -> memref<1x640x16xf32, #tpu.memory_space<hbm>>
      %dma_wait3A_96 = tpu.memref_squeeze %dma_wait3A_95 : memref<1x640x16xf32, #tpu.memory_space<hbm>> -> memref<640x16xf32, #tpu.memory_space<hbm>>
      %dma_wait3A_97 = arith.constant 0 : i32
      %dma_wait3A_98 = tpu.memref_slice %arg12[%multiple_of3A, %dma_wait3A_97] : memref<10240x16xf32, #tpu.memory_space<vmem_shared>> -> memref<640x16xf32, #tpu.memory_space<vmem_shared>>
      tpu.wait_dma2 semaphore(%run_scoped3A_88 : memref<!tpu.dma_semaphore, #tpu.memory_space<semaphore_mem>>) src(%dma_wait3A_98 : memref<640x16xf32, #tpu.memory_space<vmem_shared>>) dst(%dma_wait3A_96 : memref<640x16xf32, #tpu.memory_space<hbm>>)
      tpu.yield
    }) : () -> ()
    return
  }
}

#map = affine_map<(d0, d1) -> (0, 0, 0)>
#map1 = affine_map<(d0, d1) -> (0, 0)>
module attributes {stable_mosaic.version = 14 : i64} {
  func.func @k(%arg0: i32, %arg1: i32, %arg2: memref<32x160x125xi32, #tpu.memory_space<hbm>>, %arg3: memref<125x8xf32, #tpu.memory_space<hbm>>, %arg4: memref<640x8xf32, #tpu.memory_space<hbm>>, %arg5: memref<2x10240x8xf32, #tpu.memory_space<hbm>>, %arg6: memref<160x125xi32, #tpu.memory_space<vmem>>, %arg7: memref<125x8xf32, #tpu.memory_space<vmem>>, %arg8: memref<10240x8xf32, #tpu.memory_space<vmem_shared>>, %arg9: memref<!tpu.dma_semaphore, #tpu.memory_space<semaphore_mem>>) attributes {dimension_semantics = [#tpu.dimension_semantics<core_parallel>, #tpu.dimension_semantics<subcore_parallel>], iteration_bounds = array<i64: 2, 16>, scalar_prefetch = 0 : i64, scratch_operands = 4 : i64, tpu.core_type = #tpu.core_type<sc_vector_subcore>, window_params = [{transform_indices = #map}, {transform_indices = #map1}, {transform_indices = #map1}, {transform_indices = #map}]} {
    %mul3A = arith.constant 16 : i32
    %mul3A_0 = arith.muli %arg0, %mul3A : i32
    %add3A = arith.addi %mul3A_0, %arg1 : i32
    %mul3A_1 = arith.constant 640 : i32
    %mul3A_2 = arith.muli %arg1, %mul3A_1 : i32
    %multiple_of3A = tpu.assume_multiple %mul3A_2, 8 : i32
    "tpu.region"() ({
      %run_scoped3A = tpu.sem_alloc : memref<!tpu.dma_semaphore, #tpu.memory_space<semaphore_mem>>
      %dma_start3A = arith.constant 0 : i32
      %dma_start3A_15 = tpu.memref_slice %arg8[%multiple_of3A, %dma_start3A] : memref<10240x8xf32, #tpu.memory_space<vmem_shared>> -> memref<640x8xf32, #tpu.memory_space<vmem_shared>>
      tpu.enqueue_dma source(%arg4 : memref<640x8xf32, #tpu.memory_space<hbm>>) target(%dma_start3A_15 : memref<640x8xf32, #tpu.memory_space<vmem_shared>>) target_semaphore(%run_scoped3A : memref<!tpu.dma_semaphore, #tpu.memory_space<semaphore_mem>>)
      %dma_wait3A = arith.constant 0 : i32
      %dma_wait3A_16 = tpu.memref_slice %arg8[%multiple_of3A, %dma_wait3A] : memref<10240x8xf32, #tpu.memory_space<vmem_shared>> -> memref<640x8xf32, #tpu.memory_space<vmem_shared>>
      tpu.wait_dma2 semaphore(%run_scoped3A : memref<!tpu.dma_semaphore, #tpu.memory_space<semaphore_mem>>) src(%arg4 : memref<640x8xf32, #tpu.memory_space<hbm>>) dst(%dma_wait3A_16 : memref<640x8xf32, #tpu.memory_space<vmem_shared>>)
      tpu.yield
    }) : () -> ()
    "tpu.region"() ({
      %run_scoped3A = tpu.sem_alloc : memref<!tpu.dma_semaphore, #tpu.memory_space<semaphore_mem>>
      %dma_start3A = arith.constant 0 : i32
      %dma_start3A_15 = arith.constant 0 : i32
      %dma_start3A_16 = tpu.memref_slice %arg2[%add3A, %dma_start3A, %dma_start3A_15] : memref<32x160x125xi32, #tpu.memory_space<hbm>> -> memref<1x160x125xi32, #tpu.memory_space<hbm>>
      %dma_start3A_17 = tpu.memref_squeeze %dma_start3A_16 : memref<1x160x125xi32, #tpu.memory_space<hbm>> -> memref<160x125xi32, #tpu.memory_space<hbm>>
      %dma_start3A_18 = arith.constant 0 : i32
      %dma_start3A_19 = arith.constant 0 : i32
      %dma_start3A_20 = tpu.memref_slice %arg2[%add3A, %dma_start3A_18, %dma_start3A_19] : memref<32x160x125xi32, #tpu.memory_space<hbm>> -> memref<1x160x125xi32, #tpu.memory_space<hbm>>
      %dma_start3A_21 = tpu.memref_squeeze %dma_start3A_20 : memref<1x160x125xi32, #tpu.memory_space<hbm>> -> memref<160x125xi32, #tpu.memory_space<hbm>>
      tpu.enqueue_dma source(%dma_start3A_21 : memref<160x125xi32, #tpu.memory_space<hbm>>) target(%arg6 : memref<160x125xi32, #tpu.memory_space<vmem>>) target_semaphore(%run_scoped3A : memref<!tpu.dma_semaphore, #tpu.memory_space<semaphore_mem>>)
      %dma_wait3A = arith.constant 0 : i32
      %dma_wait3A_22 = arith.constant 0 : i32
      %dma_wait3A_23 = tpu.memref_slice %arg2[%add3A, %dma_wait3A, %dma_wait3A_22] : memref<32x160x125xi32, #tpu.memory_space<hbm>> -> memref<1x160x125xi32, #tpu.memory_space<hbm>>
      %dma_wait3A_24 = tpu.memref_squeeze %dma_wait3A_23 : memref<1x160x125xi32, #tpu.memory_space<hbm>> -> memref<160x125xi32, #tpu.memory_space<hbm>>
      %dma_wait3A_25 = arith.constant 0 : i32
      %dma_wait3A_26 = arith.constant 0 : i32
      %dma_wait3A_27 = tpu.memref_slice %arg2[%add3A, %dma_wait3A_25, %dma_wait3A_26] : memref<32x160x125xi32, #tpu.memory_space<hbm>> -> memref<1x160x125xi32, #tpu.memory_space<hbm>>
      %dma_wait3A_28 = tpu.memref_squeeze %dma_wait3A_27 : memref<1x160x125xi32, #tpu.memory_space<hbm>> -> memref<160x125xi32, #tpu.memory_space<hbm>>
      tpu.wait_dma2 semaphore(%run_scoped3A : memref<!tpu.dma_semaphore, #tpu.memory_space<semaphore_mem>>) src(%dma_wait3A_28 : memref<160x125xi32, #tpu.memory_space<hbm>>) dst(%arg6 : memref<160x125xi32, #tpu.memory_space<vmem>>)
      tpu.yield
    }) : () -> ()
    "tpu.region"() ({
      %run_scoped3A = tpu.sem_alloc : memref<!tpu.dma_semaphore, #tpu.memory_space<semaphore_mem>>
      tpu.enqueue_dma source(%arg3 : memref<125x8xf32, #tpu.memory_space<hbm>>) target(%arg7 : memref<125x8xf32, #tpu.memory_space<vmem>>) target_semaphore(%run_scoped3A : memref<!tpu.dma_semaphore, #tpu.memory_space<semaphore_mem>>)
      tpu.wait_dma2 semaphore(%run_scoped3A : memref<!tpu.dma_semaphore, #tpu.memory_space<semaphore_mem>>) src(%arg3 : memref<125x8xf32, #tpu.memory_space<hbm>>) dst(%arg7 : memref<125x8xf32, #tpu.memory_space<vmem>>)
      tpu.yield
    }) : () -> ()
    %barrier3A = arith.constant 0 : index
    tpu.barrier barrier_id(%barrier3A)
    %scan3A = arith.constant 0 : i32
    %scan3A_3 = arith.constant 0 : i32
    %scan3A_4 = arith.constant 160 : i32
    %scan3A_5 = arith.addi %scan3A_3, %scan3A_4 : i32
    %scan3A_6 = arith.constant 1 : i32
    scf.for %scan3A_15 = %scan3A_3 to %scan3A_5 step %scan3A_6  : i32 {
      %dma_start3A = arith.constant 0 : i32
      %dma_start3A_16 = tpu.memref_slice %arg6[%scan3A_15, %dma_start3A] : memref<160x125xi32, #tpu.memory_space<vmem>> -> memref<1x125xi32, #tpu.memory_space<vmem>>
      %dma_start3A_17 = tpu.memref_squeeze %dma_start3A_16 : memref<1x125xi32, #tpu.memory_space<vmem>> -> memref<125xi32, #tpu.memory_space<vmem>>
      %dma_start3A_18 = arith.constant 0 : i32
      %dma_start3A_19 = arith.constant 0 : i32
      %dma_start3A_20 = tpu.memref_slice %arg8[%dma_start3A_18, %dma_start3A_19] : memref<10240x8xf32, #tpu.memory_space<vmem_shared>> -> memref<10240x8xf32, #tpu.memory_space<vmem_shared>>
      tpu.enqueue_indirect_dma source(%arg7 : memref<125x8xf32, #tpu.memory_space<vmem>>) target(%dma_start3A_20 : memref<10240x8xf32, #tpu.memory_space<vmem_shared>>) offsets(%dma_start3A_17 : memref<125xi32, #tpu.memory_space<vmem>>) semaphore(%arg9 : memref<!tpu.dma_semaphore, #tpu.memory_space<semaphore_mem>>) {add = true}
    }
    %scan3A_7 = arith.constant 160 : i32
    %scan3A_8 = arith.constant 0 : i32
    %scan3A_9 = arith.constant 0 : i32
    %scan3A_10 = arith.constant 160 : i32
    %scan3A_11 = arith.addi %scan3A_9, %scan3A_10 : i32
    %scan3A_12 = arith.constant 1 : i32
    scf.for %scan3A_15 = %scan3A_9 to %scan3A_11 step %scan3A_12  : i32 {
      %dma_wait3A = arith.constant 0 : i32
      %dma_wait3A_16 = arith.constant 0 : i32
      %dma_wait3A_17 = tpu.memref_slice %arg6[%dma_wait3A, %dma_wait3A_16] : memref<160x125xi32, #tpu.memory_space<vmem>> -> memref<1x125xi32, #tpu.memory_space<vmem>>
      %dma_wait3A_18 = tpu.memref_squeeze %dma_wait3A_17 : memref<1x125xi32, #tpu.memory_space<vmem>> -> memref<125xi32, #tpu.memory_space<vmem>>
      %dma_wait3A_19 = arith.constant 0 : i32
      %dma_wait3A_20 = arith.constant 0 : i32
      %dma_wait3A_21 = tpu.memref_slice %arg8[%dma_wait3A_19, %dma_wait3A_20] : memref<10240x8xf32, #tpu.memory_space<vmem_shared>> -> memref<10240x8xf32, #tpu.memory_space<vmem_shared>>
      tpu.wait_indirect_dma semaphore(%arg9 : memref<!tpu.dma_semaphore, #tpu.memory_space<semaphore_mem>>) src(%arg7 : memref<125x8xf32, #tpu.memory_space<vmem>>) dst(%dma_wait3A_21 : memref<10240x8xf32, #tpu.memory_space<vmem_shared>>)
    }
    %scan3A_13 = arith.constant 160 : i32
    %barrier3A_14 = arith.constant 0 : index
    tpu.barrier barrier_id(%barrier3A_14)
    "tpu.region"() ({
      %run_scoped3A = tpu.sem_alloc : memref<!tpu.dma_semaphore, #tpu.memory_space<semaphore_mem>>
      %dma_start3A = arith.constant 0 : i32
      %dma_start3A_15 = tpu.memref_slice %arg5[%arg0, %multiple_of3A, %dma_start3A] : memref<2x10240x8xf32, #tpu.memory_space<hbm>> -> memref<1x640x8xf32, #tpu.memory_space<hbm>>
      %dma_start3A_16 = tpu.memref_squeeze %dma_start3A_15 : memref<1x640x8xf32, #tpu.memory_space<hbm>> -> memref<640x8xf32, #tpu.memory_space<hbm>>
      %dma_start3A_17 = arith.constant 0 : i32
      %dma_start3A_18 = tpu.memref_slice %arg8[%multiple_of3A, %dma_start3A_17] : memref<10240x8xf32, #tpu.memory_space<vmem_shared>> -> memref<640x8xf32, #tpu.memory_space<vmem_shared>>
      tpu.enqueue_dma source(%dma_start3A_18 : memref<640x8xf32, #tpu.memory_space<vmem_shared>>) target(%dma_start3A_16 : memref<640x8xf32, #tpu.memory_space<hbm>>) target_semaphore(%run_scoped3A : memref<!tpu.dma_semaphore, #tpu.memory_space<semaphore_mem>>)
      %dma_wait3A = arith.constant 0 : i32
      %dma_wait3A_19 = tpu.memref_slice %arg5[%arg0, %multiple_of3A, %dma_wait3A] : memref<2x10240x8xf32, #tpu.memory_space<hbm>> -> memref<1x640x8xf32, #tpu.memory_space<hbm>>
      %dma_wait3A_20 = tpu.memref_squeeze %dma_wait3A_19 : memref<1x640x8xf32, #tpu.memory_space<hbm>> -> memref<640x8xf32, #tpu.memory_space<hbm>>
      %dma_wait3A_21 = arith.constant 0 : i32
      %dma_wait3A_22 = tpu.memref_slice %arg8[%multiple_of3A, %dma_wait3A_21] : memref<10240x8xf32, #tpu.memory_space<vmem_shared>> -> memref<640x8xf32, #tpu.memory_space<vmem_shared>>
      tpu.wait_dma2 semaphore(%run_scoped3A : memref<!tpu.dma_semaphore, #tpu.memory_space<semaphore_mem>>) src(%dma_wait3A_22 : memref<640x8xf32, #tpu.memory_space<vmem_shared>>) dst(%dma_wait3A_20 : memref<640x8xf32, #tpu.memory_space<hbm>>)
      tpu.yield
    }) : () -> ()
    return
  }
}

module attributes {stable_mosaic.version = 14 : i64} {
  func.func @body(%arg0: i32, %arg1: memref<2048x1433xf32, #tpu.memory_space<vmem>>, %arg2: memref<1433x16xf32, #tpu.memory_space<vmem>>, %arg3: memref<2048x16xf32, #tpu.memory_space<vmem>>) attributes {dimension_semantics = [#tpu.dimension_semantics<arbitrary>], iteration_bounds = array<i64: 5>, scalar_prefetch = 0 : i64, scratch_operands = 0 : i64, tpu.core_type = #tpu.core_type<tc>, window_params = [{transform_indices = @transform_0, window_bounds = array<i64: 2048, 1433>}, {pipeline_mode = #tpu.pipeline_mode<synchronous>, transform_indices = @transform_1, window_bounds = array<i64: 1433, 16>}, {transform_indices = @transform_2, window_bounds = array<i64: 2048, 16>}]} {
    %get3A = arith.constant 0 : index
    %get3A_0 = arith.constant 0 : index
    %get3A_1 = vector.load %arg1[%get3A, %get3A_0] : memref<2048x1433xf32, #tpu.memory_space<vmem>>, vector<2048x1433xf32>
    %get3A_2 = arith.constant 0 : index
    %get3A_3 = arith.constant 0 : index
    %get3A_4 = vector.load %arg2[%get3A_2, %get3A_3] : memref<1433x16xf32, #tpu.memory_space<vmem>>, vector<1433x16xf32>
    %dot_general3A = arith.constant dense<0.000000e+00> : vector<2048x16xf32>
    %dot_general3A_5 = tpu.matmul %get3A_1, %get3A_4, %dot_general3A {dimension_numbers = #tpu.dot_dimension_numbers<[1], [0], [0], [1], [0, 0, 1, 1], [], []>, transpose_lhs_hint = false} : vector<2048x1433xf32>, vector<1433x16xf32>, vector<2048x16xf32> -> vector<2048x16xf32>
    %swap3A = arith.constant 0 : index
    %swap3A_6 = arith.constant 0 : index
    %swap3A_7 = vector.load %arg3[%swap3A, %swap3A_6] : memref<2048x16xf32, #tpu.memory_space<vmem>>, vector<2048x16xf32>
    tpu.vector_store %arg3[%swap3A, %swap3A_6], %dot_general3A_5 {strides = array<i32>} : memref<2048x16xf32, #tpu.memory_space<vmem>>, vector<2048x16xf32>,
    return
  }
  func.func @transform_0(%arg0: i32) -> (i32, i32) {
    %c0_i32 = arith.constant 0 : i32
    %c0_i32_0 = arith.constant 0 : i32
    return %arg0, %c0_i32 : i32, i32
  }
  func.func @transform_1(%arg0: i32) -> (i32, i32) {
    %c0_i32 = arith.constant 0 : i32
    %c0_i32_0 = arith.constant 0 : i32
    %c0_i32_1 = arith.constant 0 : i32
    return %c0_i32, %c0_i32_0 : i32, i32
  }
  func.func @transform_2(%arg0: i32) -> (i32, i32) {
    %c0_i32 = arith.constant 0 : i32
    %c0_i32_0 = arith.constant 0 : i32
    return %arg0, %c0_i32 : i32, i32
  }
}

module attributes {stable_mosaic.version = 14 : i64} {
  func.func @body(%arg0: i32, %arg1: memref<2x2048x16xf32, #tpu.memory_space<vmem>>, %arg2: memref<2048x16xf32, #tpu.memory_space<vmem>>, %arg3: memref<2x2048x8xf32, #tpu.memory_space<vmem>>, %arg4: memref<1x16xf32, #tpu.memory_space<vmem>>, %arg5: memref<16x16xf32, #tpu.memory_space<vmem>>, %arg6: memref<2048x16xf32, #tpu.memory_space<vmem>>) attributes {dimension_semantics = [#tpu.dimension_semantics<arbitrary>], iteration_bounds = array<i64: 5>, scalar_prefetch = 0 : i64, scratch_operands = 0 : i64, tpu.core_type = #tpu.core_type<tc>, window_params = [{transform_indices = @transform_0, window_bounds = array<i64: 2, 2048, 16>}, {transform_indices = @transform_1, window_bounds = array<i64: 2048, 16>}, {transform_indices = @transform_2, window_bounds = array<i64: 2, 2048, 8>}, {pipeline_mode = #tpu.pipeline_mode<synchronous>, transform_indices = @transform_3, window_bounds = array<i64: 1, 16>}, {pipeline_mode = #tpu.pipeline_mode<synchronous>, transform_indices = @transform_4, window_bounds = array<i64: 16, 16>}, {transform_indices = @transform_5, window_bounds = array<i64: 2048, 16>}]} {
    %get3A = arith.constant 0 : index
    %get3A_0 = arith.constant 0 : index
    %get3A_1 = arith.constant 0 : index
    %get3A_2 = vector.load %arg3[%get3A, %get3A_0, %get3A_1] : memref<2x2048x8xf32, #tpu.memory_space<vmem>>, vector<1x2048x8xf32>
    %get3A_3 = vector.shape_cast %get3A_2 : vector<1x2048x8xf32> to vector<2048x8xf32>
    %get3A_4 = arith.constant 1 : index
    %get3A_5 = arith.constant 0 : index
    %get3A_6 = arith.constant 0 : index
    %get3A_7 = vector.load %arg3[%get3A_4, %get3A_5, %get3A_6] : memref<2x2048x8xf32, #tpu.memory_space<vmem>>, vector<1x2048x8xf32>
    %get3A_8 = vector.shape_cast %get3A_7 : vector<1x2048x8xf32> to vector<2048x8xf32>
    %slice3A = vector.extract_strided_slice %get3A_3 {offsets = [0, 0], sizes = [2048, 1], strides = [1, 1]} : vector<2048x8xf32> to vector<2048x1xf32>
    %slice3A_9 = vector.extract_strided_slice %get3A_8 {offsets = [0, 0], sizes = [2048, 1], strides = [1, 1]} : vector<2048x8xf32> to vector<2048x1xf32>
    %add3A = arith.addf %slice3A, %slice3A_9 : vector<2048x1xf32>
    %add3A_10 = arith.constant 1.000000e+00 : f32
    %add3A_11 = vector.broadcast %add3A_10 : f32 to vector<2048x1xf32>
    %add3A_12 = arith.addf %add3A, %add3A_11 : vector<2048x1xf32>
    %rsqrt3A = math.rsqrt %add3A_12 : vector<2048x1xf32>
    %get3A_13 = arith.constant 0 : index
    %get3A_14 = arith.constant 0 : index
    %get3A_15 = arith.constant 0 : index
    %get3A_16 = vector.load %arg1[%get3A_13, %get3A_14, %get3A_15] : memref<2x2048x16xf32, #tpu.memory_space<vmem>>, vector<1x2048x16xf32>
    %get3A_17 = vector.shape_cast %get3A_16 : vector<1x2048x16xf32> to vector<2048x16xf32>
    %get3A_18 = arith.constant 1 : index
    %get3A_19 = arith.constant 0 : index
    %get3A_20 = arith.constant 0 : index
    %get3A_21 = vector.load %arg1[%get3A_18, %get3A_19, %get3A_20] : memref<2x2048x16xf32, #tpu.memory_space<vmem>>, vector<1x2048x16xf32>
    %get3A_22 = vector.shape_cast %get3A_21 : vector<1x2048x16xf32> to vector<2048x16xf32>
    %add3A_23 = arith.addf %get3A_17, %get3A_22 : vector<2048x16xf32>
    %get3A_24 = arith.constant 0 : index
    %get3A_25 = arith.constant 0 : index
    %get3A_26 = vector.load %arg2[%get3A_24, %get3A_25] : memref<2048x16xf32, #tpu.memory_space<vmem>>, vector<2048x16xf32>
    %add3A_27 = arith.addf %add3A_23, %get3A_26 : vector<2048x16xf32>
    %mul3A = vector.broadcast %rsqrt3A : vector<2048x1xf32> to vector<2048x16xf32>
    %mul3A_28 = arith.mulf %add3A_27, %mul3A : vector<2048x16xf32>
    %get3A_29 = arith.constant 0 : index
    %get3A_30 = arith.constant 0 : index
    %get3A_31 = vector.load %arg4[%get3A_29, %get3A_30] : memref<1x16xf32, #tpu.memory_space<vmem>>, vector<1x16xf32>
    %add3A_32 = vector.broadcast %get3A_31 : vector<1x16xf32> to vector<2048x16xf32>
    %add3A_33 = arith.addf %mul3A_28, %add3A_32 : vector<2048x16xf32>
    %max3A = arith.constant 0.000000e+00 : f32
    %max3A_34 = vector.broadcast %max3A : f32 to vector<2048x16xf32>
    %max3A_35 = arith.maximumf %add3A_33, %max3A_34 : vector<2048x16xf32>
    %get3A_36 = arith.constant 0 : index
    %get3A_37 = arith.constant 0 : index
    %get3A_38 = vector.load %arg5[%get3A_36, %get3A_37] : memref<16x16xf32, #tpu.memory_space<vmem>>, vector<16x16xf32>
    %dot_general3A = arith.constant dense<0.000000e+00> : vector<2048x16xf32>
    %dot_general3A_39 = tpu.matmul %max3A_35, %get3A_38, %dot_general3A {dimension_numbers = #tpu.dot_dimension_numbers<[1], [0], [0], [1], [0, 0, 1, 1], [], []>, transpose_lhs_hint = false} : vector<2048x16xf32>, vector<16x16xf32>, vector<2048x16xf32> -> vector<2048x16xf32>
    %mul3A_40 = vector.broadcast %rsqrt3A : vector<2048x1xf32> to vector<2048x16xf32>
    %mul3A_41 = arith.mulf %dot_general3A_39, %mul3A_40 : vector<2048x16xf32>
    %swap3A = arith.constant 0 : index
    %swap3A_42 = arith.constant 0 : index
    %swap3A_43 = vector.load %arg6[%swap3A, %swap3A_42] : memref<2048x16xf32, #tpu.memory_space<vmem>>, vector<2048x16xf32>
    tpu.vector_store %arg6[%swap3A, %swap3A_42], %mul3A_41 {strides = array<i32>} : memref<2048x16xf32, #tpu.memory_space<vmem>>, vector<2048x16xf32>,
    return
  }
  func.func @transform_0(%arg0: i32) -> (i32, i32, i32) {
    %c0_i32 = arith.constant 0 : i32
    %c0_i32_0 = arith.constant 0 : i32
    %c0_i32_1 = arith.constant 0 : i32
    return %c0_i32, %arg0, %c0_i32_0 : i32, i32, i32
  }
  func.func @transform_1(%arg0: i32) -> (i32, i32) {
    %c0_i32 = arith.constant 0 : i32
    %c0_i32_0 = arith.constant 0 : i32
    return %arg0, %c0_i32 : i32, i32
  }
  func.func @transform_2(%arg0: i32) -> (i32, i32, i32) {
    %c0_i32 = arith.constant 0 : i32
    %c0_i32_0 = arith.constant 0 : i32
    %c0_i32_1 = arith.constant 0 : i32
    return %c0_i32, %arg0, %c0_i32_0 : i32, i32, i32
  }
  func.func @transform_3(%arg0: i32) -> (i32, i32) {
    %c0_i32 = arith.constant 0 : i32
    %c0_i32_0 = arith.constant 0 : i32
    %c0_i32_1 = arith.constant 0 : i32
    return %c0_i32, %c0_i32_0 : i32, i32
  }
  func.func @transform_4(%arg0: i32) -> (i32, i32) {
    %c0_i32 = arith.constant 0 : i32
    %c0_i32_0 = arith.constant 0 : i32
    %c0_i32_1 = arith.constant 0 : i32
    return %c0_i32, %c0_i32_0 : i32, i32
  }
  func.func @transform_5(%arg0: i32) -> (i32, i32) {
    %c0_i32 = arith.constant 0 : i32
    %c0_i32_0 = arith.constant 0 : i32
    return %arg0, %c0_i32 : i32, i32
  }
}

module attributes {stable_mosaic.version = 14 : i64} {
  func.func @body(%arg0: i32, %arg1: memref<2x2000x16xf32, #tpu.memory_space<vmem>>, %arg2: memref<2000x16xf32, #tpu.memory_space<vmem>>, %arg3: memref<2x2000x8xf32, #tpu.memory_space<vmem>>, %arg4: memref<1x16xf32, #tpu.memory_space<vmem>>, %arg5: memref<2000x7xf32, #tpu.memory_space<vmem>>) attributes {dimension_semantics = [#tpu.dimension_semantics<arbitrary>], iteration_bounds = array<i64: 5>, scalar_prefetch = 0 : i64, scratch_operands = 0 : i64, tpu.core_type = #tpu.core_type<tc>, window_params = [{transform_indices = @transform_0, window_bounds = array<i64: 2, 2000, 16>}, {transform_indices = @transform_1, window_bounds = array<i64: 2000, 16>}, {transform_indices = @transform_2, window_bounds = array<i64: 2, 2000, 8>}, {pipeline_mode = #tpu.pipeline_mode<synchronous>, transform_indices = @transform_3, window_bounds = array<i64: 1, 16>}, {transform_indices = @transform_4, window_bounds = array<i64: 2000, 7>}]} {
    %get3A = arith.constant 0 : index
    %get3A_0 = arith.constant 0 : index
    %get3A_1 = arith.constant 0 : index
    %get3A_2 = vector.load %arg3[%get3A, %get3A_0, %get3A_1] : memref<2x2000x8xf32, #tpu.memory_space<vmem>>, vector<1x2000x8xf32>
    %get3A_3 = vector.shape_cast %get3A_2 : vector<1x2000x8xf32> to vector<2000x8xf32>
    %get3A_4 = arith.constant 1 : index
    %get3A_5 = arith.constant 0 : index
    %get3A_6 = arith.constant 0 : index
    %get3A_7 = vector.load %arg3[%get3A_4, %get3A_5, %get3A_6] : memref<2x2000x8xf32, #tpu.memory_space<vmem>>, vector<1x2000x8xf32>
    %get3A_8 = vector.shape_cast %get3A_7 : vector<1x2000x8xf32> to vector<2000x8xf32>
    %slice3A = vector.extract_strided_slice %get3A_3 {offsets = [0, 0], sizes = [2000, 1], strides = [1, 1]} : vector<2000x8xf32> to vector<2000x1xf32>
    %slice3A_9 = vector.extract_strided_slice %get3A_8 {offsets = [0, 0], sizes = [2000, 1], strides = [1, 1]} : vector<2000x8xf32> to vector<2000x1xf32>
    %add3A = arith.addf %slice3A, %slice3A_9 : vector<2000x1xf32>
    %add3A_10 = arith.constant 1.000000e+00 : f32
    %add3A_11 = vector.broadcast %add3A_10 : f32 to vector<2000x1xf32>
    %add3A_12 = arith.addf %add3A, %add3A_11 : vector<2000x1xf32>
    %rsqrt3A = math.rsqrt %add3A_12 : vector<2000x1xf32>
    %get3A_13 = arith.constant 0 : index
    %get3A_14 = arith.constant 0 : index
    %get3A_15 = arith.constant 0 : index
    %get3A_16 = vector.load %arg1[%get3A_13, %get3A_14, %get3A_15] : memref<2x2000x16xf32, #tpu.memory_space<vmem>>, vector<1x2000x16xf32>
    %get3A_17 = vector.shape_cast %get3A_16 : vector<1x2000x16xf32> to vector<2000x16xf32>
    %get3A_18 = arith.constant 1 : index
    %get3A_19 = arith.constant 0 : index
    %get3A_20 = arith.constant 0 : index
    %get3A_21 = vector.load %arg1[%get3A_18, %get3A_19, %get3A_20] : memref<2x2000x16xf32, #tpu.memory_space<vmem>>, vector<1x2000x16xf32>
    %get3A_22 = vector.shape_cast %get3A_21 : vector<1x2000x16xf32> to vector<2000x16xf32>
    %add3A_23 = arith.addf %get3A_17, %get3A_22 : vector<2000x16xf32>
    %get3A_24 = arith.constant 0 : index
    %get3A_25 = arith.constant 0 : index
    %get3A_26 = vector.load %arg2[%get3A_24, %get3A_25] : memref<2000x16xf32, #tpu.memory_space<vmem>>, vector<2000x16xf32>
    %add3A_27 = arith.addf %add3A_23, %get3A_26 : vector<2000x16xf32>
    %mul3A = vector.broadcast %rsqrt3A : vector<2000x1xf32> to vector<2000x16xf32>
    %mul3A_28 = arith.mulf %add3A_27, %mul3A : vector<2000x16xf32>
    %get3A_29 = arith.constant 0 : index
    %get3A_30 = arith.constant 0 : index
    %get3A_31 = vector.load %arg4[%get3A_29, %get3A_30] : memref<1x16xf32, #tpu.memory_space<vmem>>, vector<1x16xf32>
    %add3A_32 = vector.broadcast %get3A_31 : vector<1x16xf32> to vector<2000x16xf32>
    %add3A_33 = arith.addf %mul3A_28, %add3A_32 : vector<2000x16xf32>
    %iota3A = tpu.iota {dimensions = array<i32: 1>} : vector<2000x16xi32>
    %lt3A = arith.constant 7 : i32
    %lt3A_34 = vector.broadcast %lt3A : i32 to vector<2000x16xi32>
    %lt3A_35 = arith.cmpi slt, %iota3A, %lt3A_34 : vector<2000x16xi32>
    %jit3A = arith.constant -1.000000e+30 : f32
    %broadcast_in_dim3A = vector.broadcast %jit3A : f32 to vector<2000x16xf32>
    %select_n3A = arith.select %lt3A_35, %add3A_33, %broadcast_in_dim3A : vector<2000x16xi1>, vector<2000x16xf32>
    %reduce_max3A = arith.constant dense<0xFF800000> : vector<2000xf32>
    %reduce_max3A_36 = vector.multi_reduction <maximumf>, %select_n3A, %reduce_max3A [1] : vector<2000x16xf32> to vector<2000xf32>
    %broadcast_in_dim3A_37 = vector.shape_cast %reduce_max3A_36 : vector<2000xf32> to vector<2000x1xf32>
    %sub3A = vector.broadcast %broadcast_in_dim3A_37 : vector<2000x1xf32> to vector<2000x16xf32>
    %sub3A_38 = arith.subf %select_n3A, %sub3A : vector<2000x16xf32>
    %exp3A = math.exp %sub3A_38 : vector<2000x16xf32>
    %reduce_sum3A = arith.constant dense<0.000000e+00> : vector<2000xf32>
    %reduce_sum3A_39 = vector.multi_reduction <add>, %exp3A, %reduce_sum3A [1] : vector<2000x16xf32> to vector<2000xf32>
    %broadcast_in_dim3A_40 = vector.shape_cast %reduce_sum3A_39 : vector<2000xf32> to vector<2000x1xf32>
    %sub3A_41 = vector.broadcast %broadcast_in_dim3A_37 : vector<2000x1xf32> to vector<2000x16xf32>
    %sub3A_42 = arith.subf %add3A_33, %sub3A_41 : vector<2000x16xf32>
    %log3A = math.log %broadcast_in_dim3A_40 : vector<2000x1xf32>
    %sub3A_43 = vector.broadcast %log3A : vector<2000x1xf32> to vector<2000x16xf32>
    %sub3A_44 = arith.subf %sub3A_42, %sub3A_43 : vector<2000x16xf32>
    %slice3A_45 = vector.extract_strided_slice %sub3A_44 {offsets = [0, 0], sizes = [2000, 7], strides = [1, 1]} : vector<2000x16xf32> to vector<2000x7xf32>
    %swap3A = arith.constant 0 : index
    %swap3A_46 = arith.constant 0 : index
    %swap3A_47 = vector.load %arg5[%swap3A, %swap3A_46] : memref<2000x7xf32, #tpu.memory_space<vmem>>, vector<2000x7xf32>
    tpu.vector_store %arg5[%swap3A, %swap3A_46], %slice3A_45 {strides = array<i32>} : memref<2000x7xf32, #tpu.memory_space<vmem>>, vector<2000x7xf32>,
    return
  }
  func.func @transform_0(%arg0: i32) -> (i32, i32, i32) {
    %c0_i32 = arith.constant 0 : i32
    %c0_i32_0 = arith.constant 0 : i32
    %c0_i32_1 = arith.constant 0 : i32
    return %c0_i32, %arg0, %c0_i32_0 : i32, i32, i32
  }
  func.func @transform_1(%arg0: i32) -> (i32, i32) {
    %c0_i32 = arith.constant 0 : i32
    %c0_i32_0 = arith.constant 0 : i32
    return %arg0, %c0_i32 : i32, i32
  }
  func.func @transform_2(%arg0: i32) -> (i32, i32, i32) {
    %c0_i32 = arith.constant 0 : i32
    %c0_i32_0 = arith.constant 0 : i32
    %c0_i32_1 = arith.constant 0 : i32
    return %c0_i32, %arg0, %c0_i32_0 : i32, i32, i32
  }
  func.func @transform_3(%arg0: i32) -> (i32, i32) {
    %c0_i32 = arith.constant 0 : i32
    %c0_i32_0 = arith.constant 0 : i32
    %c0_i32_1 = arith.constant 0 : i32
    return %c0_i32, %c0_i32_0 : i32, i32
  }
  func.func @transform_4(%arg0: i32) -> (i32, i32) {
    %c0_i32 = arith.constant 0 : i32
    %c0_i32_0 = arith.constant 0 : i32
    return %arg0, %c0_i32 : i32, i32
  }
}

</mosaic_0001>

<sc_bundles>
// kernel: kernel.11.cloned.1.call-start
scs
__scs_entry_jumppad:
0x0: {  	(pc) =	sbr.rel $0x88, $3  }
0x1: {  	(tag) =	ssettag $0x0;
	lr =	simm.s32 $0x1  }
0x2: {  	[smem:$0x3F9B] =	sst lr;
	_ =	strace $0xD0000000  }
0x3: {  	_ = 	snop  }
0x4: {  	_ = 	snop  }
0x5: {  	_ = 	snop  }
0x6: {  	_ = 	snop  }
0x7: {  	_ = 	snop  }
__scs_overlays_trampoline_lowered:
0x8: {  	[smem:$0x3FAA] =	sst s0  }
0x9: {  	[smem:$0x3FAB] =	sst s1  }
0xa: {  	[smem:$0x3FAC] =	sst s2  }
0xb: {  	[smem:$0x3FAD] =	sst s3  }
0xc: {  	[smem:$0x3FAE] =	sst s4  }
0xd: {  	[smem:$0x3FAF] =	sst s5  }
0xe: {  	[smem:$0x3FB0] =	sst s6  }
0xf: {  	[smem:$0x3FB1] =	sst s7  }
0x10: {  	[smem:$0x3FB2] =	sst s8  }
0x11: {  	[smem:$0x3FB3] =	sst s9;
	s0 =	simm.s32 @!p0 $0x0  }
0x12: {  	s1 =	sld [smem:$0x3F99];
	s0 =	simm.s32 @p0 $0x1  }
0x13: {  	[smem:$0x3FB4] =	sst s0;
	s0 =	simm.s32 @!p1 $0x0  }
0x14: {  	s2 =	sld [smem:$0x3F98];
	s0 =	simm.s32 @p1 $0x1  }
0x15: {  	[smem:$0x3FB5] =	sst s0;
	s0 =	simm.s32 @!p2 $0x0  }
0x16: {  	s3 =	sld [smem:$0x3FDB];
	s0 =	simm.s32 @p2 $0x1  }
0x17: {  	s4 =	simm.s32 $0x1BF5;
	[smem:$0x3FB7] =	sst s0  }
0x18: {  	s0 =	sld [smem:$0x3F9A];
	_ =	swait.ge [sflag:s4], $0x0  }
0x19: {  	s7 =	sld [smem:$0x3F9B]  }
0x1a: {  	s8 =	sadd.s32 $0xFFFFE003, lr  }
0x1b: {  	s9 =	sadd.s32 $0xFFFFFEF7, lr;
	s5 =	simm.s32 $0xFFFFFFFF;
	p2 =	slt.u32 s8, $0xFFFFF086  }
0x1c: {  	p1 =	slt.u32 s9, $0xF7A;
	s5 =	simm.s32 @!p2 $0x0  }
0x1d: {  	s5 =	simm.s32 @p1 $0x1;
	p0 =	seq.s32 s7, s2  }
0x1e: {  	s7 =	smul.u32 @!p0 $0xF7A, s2;
	p2 =	seq.s32 @!p0 s5, $0x0  }
0x1f: {  	s9 =	smul.u32 $0xF7A, s1;
	s8 =	simm.s32 @!p0 $0x1BF5;
	p2 =	por !p2, p0  }
0x20: {  	[sflag:s8] =	ssyncset.s32 @!p0 $0xFFFFF086;
	s6 =	sadd.s32 @!p0 s3, s7;
	s7 =	simm.s32 @!p0 $0x108  }
0x21: {  	s3 =	sadd.s32 s3, s9;
	s6 =	sadd.s32 @!p0 $0x88, s6;
	s7 =	simm.s32 @p2 $0x1082  }
0x22: {  	[simem:s7], [sflag:s8] =	dma.local @!p0 [hbm:s6], $0xF7A  }
0x23: {  	s9 =	sor.u32 $0xD0000000, s2;
	s6 =	simm.s32 $0x108;
	_ =	swait.ge @!p0 [sflag:s8], $0x0  }
0x24: {  	s3 =	sadd.s32 $0x88, s3;
	s6 =	simm.s32 @!p1 $0x1082;
	[sflag:s4] =	ssyncset.s32 $0xFFFFF086  }
0x25: {  	[simem:s6], [sflag:s4] =	dma.local [hbm:s3], $0xF7A  }
0x26: {  	[smem:$0x3F9B] =	sst s1;
	(tag) =	ssettag s2;
	_ =	strace s9  }
0x27: {  	s1 =	sld [smem:$0x3FAB]  }
0x28: {  	s2 =	sld [smem:$0x3FAC]  }
0x29: {  	s4 =	sld [smem:$0x3FAE]  }
0x2a: {  	p0 =	seq.s32 s5, $0x0;
	s5 =	sld [smem:$0x3FAF]  }
0x2b: {  	s6 =	sld [smem:$0x3FB0]  }
0x2c: {  	s7 =	sld [smem:$0x3FB1]  }
0x2d: {  	s3 =	simm.s32 $0x108;
	s8 =	sld [smem:$0x3FB2]  }
0x2e: {  	s3 =	simm.s32 @!p0 $0x1082;
	s9 =	sld [smem:$0x3FB3]  }
0x2f: {  	lr =	sadd.s32 s0, s3;
	s0 =	sld [smem:$0x3FAA]  }
0x30: {  	s3 =	sld [smem:$0x3FAD]  }
0x31: {  	[smem:$0x3FB6] =	sst s10  }
0x32: {  	s10 =	sld [smem:$0x3FB4];
	_ =	sdelay $0x3  }
0x33: {  	p0 =	seq.s32 s10, $0x1;
	s10 =	sld [smem:$0x3FB6];
	_ =	sdelay $0x3  }
0x34: {  	[smem:$0x3FB6] =	sst s10  }
0x35: {  	s10 =	sld [smem:$0x3FB5];
	_ =	sdelay $0x3  }
0x36: {  	p1 =	seq.s32 s10, $0x1;
	s10 =	sld [smem:$0x3FB6];
	_ =	sdelay $0x3  }
0x37: {  	[smem:$0x3FB6] =	sst s10  }
0x38: {  	s10 =	sld [smem:$0x3FB7]  }
0x39: {  	_ = 	snop;
	(pc) =	sbr.ind lr, $3  }
0x3a: {  	_ = 	snop  }
0x3b: {  	_ = 	snop  }
0x3c: {  	p2 =	seq.s32 s10, $0x1;
	s10 =	sld [smem:$0x3FB6]  }
0x3d: {  	_ =	shalt  }
0x3e: {  	_ =	shalt  }
0x3f: {  	_ =	shalt  }
0x40: {  	_ =	shalt  }
0x41: {  	_ =	shalt  }
0x42: {  	_ =	shalt  }
0x43: {  	_ =	shalt  }
0x44: {  	_ =	shalt  }
0x45: {  	_ =	shalt  }
0x46: {  	_ =	shalt  }
0x47: {  	_ =	shalt  }
0x48: {  	_ =	shalt  }
0x49: {  	_ =	shalt  }
0x4a: {  	_ =	shalt  }
0x4b: {  	_ =	shalt  }
0x4c: {  	_ =	shalt  }
0x4d: {  	_ =	shalt  }
0x4e: {  	_ =	shalt  }
0x4f: {  	_ =	shalt  }
0x50: {  	_ =	shalt  }
0x51: {  	_ =	shalt  }
0x52: {  	_ =	shalt  }
0x53: {  	_ =	shalt  }
0x54: {  	_ =	shalt  }
0x55: {  	_ =	shalt  }
0x56: {  	_ =	shalt  }
0x57: {  	_ =	shalt  }
0x58: {  	_ =	shalt  }
0x59: {  	_ =	shalt  }
0x5a: {  	_ =	shalt  }
0x5b: {  	_ =	shalt  }
0x5c: {  	_ =	shalt  }
0x5d: {  	_ =	shalt  }
0x5e: {  	_ =	shalt  }
0x5f: {  	_ =	shalt  }
0x60: {  	_ =	shalt  }
0x61: {  	_ =	shalt  }
0x62: {  	_ =	shalt  }
0x63: {  	_ =	shalt  }
0x64: {  	_ =	shalt  }
0x65: {  	_ =	shalt  }
0x66: {  	_ =	shalt  }
0x67: {  	_ =	shalt  }
0x68: {  	_ =	shalt  }
0x69: {  	_ =	shalt  }
0x6a: {  	_ =	shalt  }
0x6b: {  	_ =	shalt  }
0x6c: {  	_ =	shalt  }
0x6d: {  	_ =	shalt  }
0x6e: {  	_ =	shalt  }
0x6f: {  	_ =	shalt  }
0x70: {  	_ =	shalt  }
0x71: {  	_ =	shalt  }
0x72: {  	_ =	shalt  }
0x73: {  	_ =	shalt  }
0x74: {  	_ =	shalt  }
0x75: {  	_ =	shalt  }
0x76: {  	_ =	shalt  }
0x77: {  	_ =	shalt  }
0x78: {  	_ =	shalt  }
0x79: {  	_ =	shalt  }
0x7a: {  	_ =	shalt  }
0x7b: {  	_ =	shalt  }
0x7c: {  	_ =	shalt  }
0x7d: {  	_ =	shalt  }
0x7e: {  	_ =	shalt  }
0x7f: {  	_ =	shalt  }
0x80: {  	_ =	shalt  }
0x81: {  	_ =	shalt  }
0x82: {  	_ =	shalt  }
0x83: {  	_ =	shalt  }
0x84: {  	_ =	shalt  }
0x85: {  	_ =	shalt  }
0x86: {  	_ =	shalt  }
0x87: {  	_ =	shalt  }
.Lfunc_end0:
.L_simem_size_0:
called_computation.1_lowered:
.L_overlay_start_0:
0x88: {  	s2 =	sld [smem:$0x3FD9]  }
0x89: {  	s3 =	sld [smem:$0x3FFE];
	_ =	sdelay $0x1  }
0x8a: {  	s1 =	srdreg.scid  }
0x8b: {  	s0 =	sand.u32 $0x1, s1  }
0x8c: {  	s17 =	sshll.u32 s0, $0xA;
	s2 =	sadd.s32 s3, s2  }
0x8d: {  	s2 =	sadd.s32 s2, s17  }
0x8e: {  	[smem:$0x3FC2] =	sst s2  }
0x8f: {  	_ = 	snop  }
0x90: {  	s2 =	sld [smem:$0x3FD0];
	(tm) =	ssettm $0x1  }
0x91: {  	s18 =	sld [smem:$0x3FFB];
	_ =	sdelay $0x3  }
0x92: {  	_ =	strace s18  }
0x93: {  	s3 =	sld [smem:$0x3FFC];
	_ =	sdelay $0x3  }
0x94: {  	_ =	strace s3  }
0x95: {  	s3 =	sld [smem:$0x3FFD];
	_ =	sdelay $0x3  }
0x96: {  	_ =	strace s3  }
0x97: {  	_ =	strace $0x8FFFFFFF  }
0x98: {  	s19 =	sld [smem:$0x3FDB];
	_ =	sdelay $0x1  }
0x99: {  	s4 =	simm.s32 $_scs_section_size  }
0x9a: {  	s5 =	simm.s32 $_size__tile_overlayer_lowered;
	s6 =	simm.s32 $_tile_overlayer_lowered  }
0x9b: {  	s22 =	simm.s32 $0x1BFF;
	s21 =	sshll.u32 s6, $0x1;
	s3 =	sadd.s32 s4, s19  }
0x9c: {  	s7 =	simm.s32 $0x0;
	s20 =	sshll.u32 s5, $0x1;
	s5 =	sadd.s32 s21, s3  }
0x9d: {  	[timem:s7], [sflag:s22] =	dma.local [hbm:s5], s20  }
0x9e: {  	_ =	swait.ge [sflag:s22], s20  }
0x9f: {  	s4 =	ssub.s32 $0x0, s20;
	[sflag:s22] =	ssyncset.done $0x0  }
0xa0: {  	[sflag:s22] =	ssyncadd.s32 s4;
	_ =	sdelay $0x1  }
0xa1: {  	s23 =	simm.s32 $0x1B8B  }
0xa2: {  	_ =	swait.ge [sflag:s23], $0x1  }
0xa3: {  	[sflag:s23] =	ssyncset.done $0x0  }
0xa4: {  	s25 =	simm.s32 $0x1B8E;
	s24 =	sld [smem:$0x3FFE];
	[sflag:s23] =	ssyncadd.s32 $0xFFFFFFFF  }
0xa5: {  	s26 =	simm.s32 $execute0_lowered;
	[smem:$0x3FD2] =	sst s25  }
0xa6: {  	s5 =	sshll.u32 s26, $0x1;
	_ =	strace $0x80000049;
	[dreg:$0x1] =	wrdreg $0xFFFFFFFF  }
0xa7: {  	s28 =	simm.s32 $_size_execute0_lowered;
	s3 =	sadd.s32 s3, s5;
	[dreg:$0x0] =	wrdreg $0x0  }
0xa8: {  	s5 =	sshll.u32 s28, $0x1;
	[dreg:$0x2] =	wrdreg s3  }
0xa9: {  	[dreg:$0x3] =	wrdreg s5  }
0xaa: {  	[dreg:$0x4] =	wrdreg $0xC0  }
0xab: {  	_ =	task [dreg:s7], $0x5FFFF  }
0xac: {  	[dreg:$0x1] =	wrdreg $0xFFFFFFFF  }
0xad: {  	[dreg:$0x0] =	wrdreg $0x60  }
0xae: {  	[dreg:$0x2] =	wrdreg s24  }
0xaf: {  	[dreg:$0x3] =	wrdreg s2  }
0xb0: {  	[dreg:$0x4] =	wrdreg $0xCEE00  }
0xb1: {  	[dreg:$0x5] =	wrdreg $0xF6E00  }
0xb2: {  	[dreg:$0x6] =	wrdreg $0x9  }
0xb3: {  	_ =	task.clear_ibuf [dreg:s7], $0x7FFFF;
	_ =	strace $0x90000049  }
0xb4: {  	s29 =	simm.s32 $0x9;
	_ =	strace $0x8000004B  }
0xb5: {  	_ =	swait.ge [sflag:s29], $0x1  }
0xb6: {  	[sflag:s29] =	ssyncadd.s32 $0xFFFFFFFF  }
0xb7: {  	_ =	strace $0x9000004B  }
0xb8: {  	_ =	sfence  }
0xb9: {  	s30 =	sld [smem:$0x0];
	_ =	sdelay $0x2  }
0xba: {  	s31 =	sshll.u32 s1, $0xD;
	s1 =	sshrl.u32 s1, $0x2  }
0xbb: {  	s3 =	sand.u32 $0x4000, s31;
	s1 =	sadd.s32 s1, s30  }
0xbc: {  	s0 =	sor.u32 s3, s0;
	s1 =	sshll.u32 s1, $0x11  }
0xbd: {  	s0 =	sor.u32 s1, s0  }
0xbe: {  	s0 =	sadd.s32 $0x8F2B, s0  }
0xbf: {  	[sflag:s0] =	ssyncadd.remote.s32 $0x1  }
0xc0: {  	_ =	sfence.sel $0xFFFF  }
0xc1: {  	[dreg:$0x0] =	wrdreg $0xFFFFFFFF;
	(pc) =	sbr.abs _section_cstart, $3  }
0xc2: {  	[dreg:$0x1] =	wrdreg $0xFFFFFFFF  }
0xc3: {  	_ =	task.clear_ibuf [dreg:s7], $0x2FFFF;
	_ =	strace $0x9FFFFFFF  }
0xc4: {  	(tm) =	ssettm $0x7FFFFFFF  }
0xc5: {  	_ =	shalt  }
tec
execute0_lowered:
.L_overlay_start_1:
0x0: {  	(tag) =	ssettag $0x1  }
0x1: {  	s0 =	srdreg.scid;
	s1 =	rddreg [dreg:$0x0]  }
0x2: {  	s11 =	stileid.u32;
	s3 =	rddreg [dreg:$0x2]  }
0x3: {  	s4 =	rddreg [dreg:$0x3];
	s5 =	simm.s32 $0x0;
	s17 =	simm.s32 $0x3  }
0x4: {  	s18 =	simm.s32 $0x11EE0;
	s19 =	simm.s32 $0x146E0;
	s20 =	simm.s32 $0x15AE0  }
0x5: {  	s21 =	simm.s32 $0x16EE0;
	s22 =	simm.s32 $0x7D;
	s28 =	simm.s32 $0xAFA0  }
0x6: {  	s29 =	simm.s32 $0x1;
	s30 =	simm.s32 $0x2;
	s6 =	smul.u32 $0x1400, s11  }
0x7: {  	s31 =	simm.s32 $0x0;
	s0 =	sand.u32 $0x1, s0;
	s10 =	smul.u32 $0x2800, s11  }
0x8: {  	[smem:$0x7FF] =	sst s5;
	s26 =	sshll.u32 s11, $0x6;
	s2 =	sshll.u32 s0, $0x4  }
0x9: {  	s7 =	smul.u32 $0x28000, s0;
	_ =	strace $0x8000004A;
	s24 =	ssub.s32 $0x2, s0  }
0xa: {  	p0 =	sne.s32 s0, $0x0;
	s2 =	sor.u32 s11, s2;
	s6 =	sshrl.u32 s6, $0x3  }
0xb: {  	s25 =	sshrl.u32 s10, $0x3;
	s8 =	sshrl.u32 s24, $0x1;
	s16 =	sadd.s32 s10, s3  }
0xc: {  	s2 =	smul.u32 $0xA00, s2;
	s7 =	sadd.s32 s10, s7;
	s9 =	sadd.s32 s6, s1  }
0xd: {  	v0 =	vlaneseq.u32;
	v1 =	vimm.s32 $0x3;
	s15 =	ssub.s32 s24, s8;
	s6 =	sor.u32 $0x1C03, s26;
	s10 =	sadd.s32 s10, s4  }
0xe: {  	v2 =	vimm.s32 $0x1;
	v3 =	vimm.s32 $0x2;
	v4 =	vimm.s32 $0x4;
	s16 =	sshrl.u32 s16, $0x3;
	s26 =	simm.s32 $0x100;
	s23 =	sshrl.u32 s7, $0x3  }
0xf: {  	v5 =	vimm.s32 $0x5;
	v6 =	vimm.s32 $0x6;
	v7 =	vimm.s32 $0x7;
	s8 =	sadd.s32 $0x15600, s9;
	s9 =	sadd.s32 $0x17E00, s9;
	s15 =	smax.u32 s15, $0x1  }
0x10: {  	v8 =	vimm.s32 $0x8;
	v9 =	vimm.s32 $0x9;
	v10 =	vimm.s32 $0xA;
	s2 =	sadd.s32 s2, s1;
	s14 =	sadd.s32 s23, s1;
	s1 =	sadd.s32 s25, s1  }
0x11: {  	v11 =	vimm.s32 $0xB;
	v12 =	vimm.s32 $0xC;
	v13 =	vimm.s32 $0xD;
	s25 =	simm.s32 $0xA7D0;
	s7 =	sadd.s32 $0x2E600, s1;
	s11 =	sadd.s32 $0x3D600, s1  }
0x12: {  	v14 =	vimm.s32 $0xE;
	v15 =	vimm.s32 $0xF;
	v0 =	vmul.u32 $0x8, v0;
	s12 =	sadd.s32 $0x1A600, s2;
	s13 =	sadd.s32 $0x1400, s2;
	s14 =	sadd.s32 $0x33600, s14  }
.LBB2_1:
0x13: {  	s0 =	rddreg [dreg:$0x1]  }
0x14: {  	[spmem:s16], [sflag:s6] =	dma.local [hbm:s0], $0x500  }
0x15: {  	_ =	swait.ge [sflag:s17], $0x500  }
0x16: {  	[sflag:s17] =	ssyncset.done $0x0  }
0x17: {  	[sflag:s17] =	ssyncadd.s32 $0xFFFFFB00  }
0x18: {  	[tilespmem:s18], [sflag:$0x3] =	stream.linear.gather [hbm4b:s7+s5], $0x2800, $0x38;
	[tilespmem:$0x16EF0] =	vst v63  }
0x19: {  	_ =	swait.ge [sflag:s17], $0x2800  }
0x1a: {  	[sflag:s17] =	ssyncset.done $0x0  }
0x1b: {  	[sflag:s17] =	ssyncadd.s32 $0xFFFFD800  }
0x1c: {  	[tilespmem:s19], [sflag:$0x3] =	stream.linear.gather [hbm4b:s8+s5], $0x1400, $0x38;
	[tilespmem:$0x16EF0] =	vst v63  }
0x1d: {  	v16 =	vmov s5;
	_ =	swait.ge [sflag:s17], $0x1400  }
0x1e: {  	v16 =	vshll.u32 v16, $0x3;
	[sflag:s17] =	ssyncset.done $0x0  }
0x1f: {  	v16 =	vor.u32 v0, v16;
	[sflag:s17] =	ssyncadd.s32 $0xFFFFEC00  }
0x20: {  	[tilespmem:s20], [sflag:$0x3] =	stream.linear.gather [hbm4b:s9+s5], $0x1400, $0x38;
	[tilespmem:$0x16EF0] =	vst v63  }
0x21: {  	_ =	swait.ge [sflag:s17], $0x1400  }
0x22: {  	[sflag:s17] =	ssyncset.done $0x0  }
0x23: {  	[sflag:s17] =	ssyncadd.s32 $0xFFFFEC00  }
0x24: {  	v17 =	vld.idx.msk [tilespmem:v16+s19+$0x0], $0xffff  }
0x25: {  	v16 =	vld.idx.msk [tilespmem:v16+s20+$0x0], $0xffff;
	_ =	sdelay $0x4  }
0x26: {  	v16 =	vadd.f32 v16, v17;
	_ =	sdelay $0x1  }
0x27: {  	v16 =	vadd.f32 $1.000000000e+00, v16;
	_ =	sdelay $0x1  }
0x28: {  	v17 =	vshra.s32 v16, $0x1;
	v16 =	vmul.f32 $5.000000000e-01, v16  }
0x29: {  	v17 =	vsub.s32 $0x5F3759DF, v17  }
0x2a: {  	v18 =	vmul.f32 v17, v16;
	_ =	sdelay $0x1  }
0x2b: {  	v18 =	vmul.f32 v17, v18;
	_ =	sdelay $0x1  }
0x2c: {  	v18 =	vsub.f32 $1.500000000e+00, v18;
	_ =	sdelay $0x1  }
0x2d: {  	v17 =	vmul.f32 v17, v18;
	_ =	sdelay $0x1  }
0x2e: {  	v18 =	vmul.f32 v17, v16;
	_ =	sdelay $0x1  }
0x2f: {  	v18 =	vmul.f32 v18, v17;
	_ =	sdelay $0x1  }
0x30: {  	v18 =	vsub.f32 $1.500000000e+00, v18;
	_ =	sdelay $0x1  }
0x31: {  	v17 =	vmul.f32 v18, v17;
	_ =	sdelay $0x1  }
0x32: {  	v16 =	vmul.f32 v17, v16;
	_ =	sdelay $0x1  }
0x33: {  	v16 =	vmul.f32 v16, v17;
	_ =	sdelay $0x1  }
0x34: {  	v16 =	vsub.f32 $1.500000000e+00, v16;
	_ =	sdelay $0x1  }
0x35: {  	v16 =	vmul.f32 v16, v17;
	_ =	sdelay $0x1  }
0x36: {  	[tilespmem:$0x16EE0] =	vst v16  }
0x37: {  	s1 =	simm.s32 $0x11F60;
	v16 =	vld.msk [tilespmem:s21+$0x0], $0xffff  }
0x38: {  	v17 =	vld [tilespmem:s1+$0xFFFFFF80];
	_ =	sdelay $0x4  }
0x39: {  	v16 =	vmul.f32 v17, v16;
	_ =	sdelay $0x1  }
0x3a: {  	[tilespmem:s1+$0xFFFFFF80] =	vst v16;
	v16 =	vld [tilespmem:s1+$0xFFFFFF90]  }
0x3b: {  	v17 =	vld.idx.msk [tilespmem:v2+s21+$0x0], $0xffff;
	_ =	sdelay $0x4  }
0x3c: {  	v16 =	vmul.f32 v16, v17;
	_ =	sdelay $0x1  }
0x3d: {  	[tilespmem:s1+$0xFFFFFF90] =	vst v16;
	v16 =	vld [tilespmem:s1+$0xFFFFFFA0]  }
0x3e: {  	v17 =	vld.idx.msk [tilespmem:v3+s21+$0x0], $0xffff;
	_ =	sdelay $0x4  }
0x3f: {  	v16 =	vmul.f32 v16, v17;
	_ =	sdelay $0x1  }
0x40: {  	[tilespmem:s1+$0xFFFFFFA0] =	vst v16;
	v16 =	vld [tilespmem:s1+$0xFFFFFFB0]  }
0x41: {  	v17 =	vld.idx.msk [tilespmem:v1+s21+$0x0], $0xffff;
	_ =	sdelay $0x4  }
0x42: {  	v16 =	vmul.f32 v16, v17;
	_ =	sdelay $0x1  }
0x43: {  	[tilespmem:s1+$0xFFFFFFB0] =	vst v16;
	v16 =	vld [tilespmem:s1+$0xFFFFFFC0]  }
0x44: {  	v17 =	vld.idx.msk [tilespmem:v4+s21+$0x0], $0xffff;
	_ =	sdelay $0x4  }
0x45: {  	v16 =	vmul.f32 v16, v17;
	_ =	sdelay $0x1  }
0x46: {  	[tilespmem:s1+$0xFFFFFFC0] =	vst v16;
	v16 =	vld [tilespmem:s1+$0xFFFFFFD0]  }
0x47: {  	v17 =	vld.idx.msk [tilespmem:v5+s21+$0x0], $0xffff;
	_ =	sdelay $0x4  }
0x48: {  	v16 =	vmul.f32 v16, v17;
	_ =	sdelay $0x1  }
0x49: {  	[tilespmem:s1+$0xFFFFFFD0] =	vst v16;
	v16 =	vld [tilespmem:s1+$0xFFFFFFE0]  }
0x4a: {  	v17 =	vld.idx.msk [tilespmem:v6+s21+$0x0], $0xffff;
	_ =	sdelay $0x4  }
0x4b: {  	v16 =	vmul.f32 v16, v17;
	_ =	sdelay $0x1  }
0x4c: {  	[tilespmem:s1+$0xFFFFFFE0] =	vst v16;
	v16 =	vld [tilespmem:s1+$0xFFFFFFF0]  }
0x4d: {  	v17 =	vld.idx.msk [tilespmem:v7+s21+$0x0], $0xffff;
	_ =	sdelay $0x4  }
0x4e: {  	v16 =	vmul.f32 v16, v17;
	_ =	sdelay $0x1  }
0x4f: {  	[tilespmem:s1+$0xFFFFFFF0] =	vst v16;
	v16 =	vld [tilespmem:s1+$0x0]  }
0x50: {  	v17 =	vld.idx.msk [tilespmem:v8+s21+$0x0], $0xffff;
	_ =	sdelay $0x4  }
0x51: {  	v16 =	vmul.f32 v16, v17;
	_ =	sdelay $0x1  }
0x52: {  	[tilespmem:s1+$0x0] =	vst v16;
	v16 =	vld [tilespmem:s1+$0x10]  }
0x53: {  	v17 =	vld.idx.msk [tilespmem:v9+s21+$0x0], $0xffff;
	_ =	sdelay $0x4  }
0x54: {  	v16 =	vmul.f32 v16, v17;
	_ =	sdelay $0x1  }
0x55: {  	[tilespmem:s1+$0x10] =	vst v16;
	v16 =	vld [tilespmem:s1+$0x20]  }
0x56: {  	v17 =	vld.idx.msk [tilespmem:v10+s21+$0x0], $0xffff;
	_ =	sdelay $0x4  }
0x57: {  	v16 =	vmul.f32 v16, v17;
	_ =	sdelay $0x1  }
0x58: {  	[tilespmem:s1+$0x20] =	vst v16;
	v16 =	vld [tilespmem:s1+$0x30]  }
0x59: {  	v17 =	vld.idx.msk [tilespmem:v11+s21+$0x0], $0xffff;
	_ =	sdelay $0x4  }
0x5a: {  	v16 =	vmul.f32 v16, v17;
	_ =	sdelay $0x1  }
0x5b: {  	[tilespmem:s1+$0x30] =	vst v16;
	v16 =	vld [tilespmem:s1+$0x40]  }
0x5c: {  	v17 =	vld.idx.msk [tilespmem:v12+s21+$0x0], $0xffff;
	_ =	sdelay $0x4  }
0x5d: {  	v16 =	vmul.f32 v16, v17;
	_ =	sdelay $0x1  }
0x5e: {  	[tilespmem:s1+$0x40] =	vst v16;
	v16 =	vld [tilespmem:s1+$0x50]  }
0x5f: {  	v17 =	vld.idx.msk [tilespmem:v13+s21+$0x0], $0xffff;
	_ =	sdelay $0x4  }
0x60: {  	v16 =	vmul.f32 v16, v17;
	_ =	sdelay $0x1  }
0x61: {  	[tilespmem:s1+$0x50] =	vst v16;
	v16 =	vld [tilespmem:s1+$0x60]  }
0x62: {  	v17 =	vld.idx.msk [tilespmem:v14+s21+$0x0], $0xffff;
	_ =	sdelay $0x4  }
0x63: {  	v16 =	vmul.f32 v16, v17;
	_ =	sdelay $0x1  }
0x64: {  	v17 =	vld [tilespmem:s1+$0x70];
	[tilespmem:s1+$0x60] =	vst v16  }
0x65: {  	s24 =	simm.s32 $0x10;
	v18 =	vld.idx.msk [tilespmem:v15+s21+$0x0], $0xffff  }
0x66: {  	v16 =	vmov s24  }
0x67: {  	v16 =	vshll.u32 v16, $0x3  }
0x68: {  	s2 =	simm.s32 $0x11F60;
	s0 =	simm.s32 $0x20;
	v16 =	vor.u32 v0, v16  }
.LBB2_2:
0x69: {  	p1 =	sne.s32 s0, $0x270  }
0x6a: {  	v17 =	vmul.f32 v17, v18;
	s1 =	sadd.s32 $0x100, s1;
	s23 =	smov.u32 s0;
	s0 =	sadd.s32 $0x10, s0  }
0x6b: {  	_ = 	snop  }
0x6c: {  	[tilespmem:s2+$0x70] =	vst v17;
	s2 =	smov.u32 s1  }
0x6d: {  	v17 =	vld.idx.msk [tilespmem:v16+s19+$0x0], $0xffff  }
0x6e: {  	v16 =	vld.idx.msk [tilespmem:v16+s20+$0x0], $0xffff;
	_ =	sdelay $0x5  }
0x6f: {  	v16 =	vadd.f32 v16, v17;
	_ =	sdelay $0x1  }
0x70: {  	v16 =	vadd.f32 $1.000000000e+00, v16;
	_ =	sdelay $0x1  }
0x71: {  	v17 =	vshra.s32 v16, $0x1;
	v16 =	vmul.f32 $5.000000000e-01, v16  }
0x72: {  	v17 =	vsub.s32 $0x5F3759DF, v17  }
0x73: {  	v18 =	vmul.f32 v17, v16;
	_ =	sdelay $0x1  }
0x74: {  	v18 =	vmul.f32 v17, v18;
	_ =	sdelay $0x1  }
0x75: {  	v18 =	vsub.f32 $1.500000000e+00, v18;
	_ =	sdelay $0x1  }
0x76: {  	v17 =	vmul.f32 v17, v18;
	_ =	sdelay $0x1  }
0x77: {  	v18 =	vmul.f32 v17, v16;
	_ =	sdelay $0x1  }
0x78: {  	v18 =	vmul.f32 v18, v17;
	_ =	sdelay $0x1  }
0x79: {  	v18 =	vsub.f32 $1.500000000e+00, v18;
	_ =	sdelay $0x1  }
0x7a: {  	v17 =	vmul.f32 v18, v17;
	_ =	sdelay $0x1  }
0x7b: {  	v16 =	vmul.f32 v17, v16;
	_ =	sdelay $0x1  }
0x7c: {  	v16 =	vmul.f32 v16, v17;
	_ =	sdelay $0x1  }
0x7d: {  	v16 =	vsub.f32 $1.500000000e+00, v16;
	_ =	sdelay $0x1  }
0x7e: {  	v16 =	vmul.f32 v16, v17;
	_ =	sdelay $0x1  }
0x7f: {  	[tilespmem:$0x16EE0] =	vst v16  }
0x80: {  	v16 =	vld.msk [tilespmem:s21+$0x0], $0xffff  }
0x81: {  	v17 =	vld [tilespmem:s1+$0xFFFFFF80];
	_ =	sdelay $0x4  }
0x82: {  	v16 =	vmul.f32 v17, v16;
	_ =	sdelay $0x1  }
0x83: {  	[tilespmem:s1+$0xFFFFFF80] =	vst v16;
	v16 =	vld [tilespmem:s1+$0xFFFFFF90]  }
0x84: {  	v17 =	vld.idx.msk [tilespmem:v2+s21+$0x0], $0xffff;
	_ =	sdelay $0x5  }
0x85: {  	v16 =	vmul.f32 v16, v17;
	_ =	sdelay $0x1  }
0x86: {  	[tilespmem:s1+$0xFFFFFF90] =	vst v16;
	v16 =	vld [tilespmem:s1+$0xFFFFFFA0]  }
0x87: {  	v17 =	vld.idx.msk [tilespmem:v3+s21+$0x0], $0xffff;
	_ =	sdelay $0x5  }
0x88: {  	v16 =	vmul.f32 v16, v17;
	_ =	sdelay $0x1  }
0x89: {  	[tilespmem:s1+$0xFFFFFFA0] =	vst v16;
	v16 =	vld [tilespmem:s1+$0xFFFFFFB0]  }
0x8a: {  	v17 =	vld.idx.msk [tilespmem:v1+s21+$0x0], $0xffff;
	_ =	sdelay $0x5  }
0x8b: {  	v16 =	vmul.f32 v16, v17;
	_ =	sdelay $0x1  }
0x8c: {  	[tilespmem:s1+$0xFFFFFFB0] =	vst v16;
	v16 =	vld [tilespmem:s1+$0xFFFFFFC0]  }
0x8d: {  	v17 =	vld.idx.msk [tilespmem:v4+s21+$0x0], $0xffff;
	_ =	sdelay $0x5  }
0x8e: {  	v16 =	vmul.f32 v16, v17;
	_ =	sdelay $0x1  }
0x8f: {  	[tilespmem:s1+$0xFFFFFFC0] =	vst v16;
	v16 =	vld [tilespmem:s1+$0xFFFFFFD0]  }
0x90: {  	v17 =	vld.idx.msk [tilespmem:v5+s21+$0x0], $0xffff;
	_ =	sdelay $0x5  }
0x91: {  	v16 =	vmul.f32 v16, v17;
	_ =	sdelay $0x1  }
0x92: {  	[tilespmem:s1+$0xFFFFFFD0] =	vst v16;
	v16 =	vld [tilespmem:s1+$0xFFFFFFE0]  }
0x93: {  	v17 =	vld.idx.msk [tilespmem:v6+s21+$0x0], $0xffff;
	_ =	sdelay $0x5  }
0x94: {  	v16 =	vmul.f32 v16, v17;
	_ =	sdelay $0x1  }
0x95: {  	[tilespmem:s1+$0xFFFFFFE0] =	vst v16;
	v16 =	vld [tilespmem:s1+$0xFFFFFFF0]  }
0x96: {  	v17 =	vld.idx.msk [tilespmem:v7+s21+$0x0], $0xffff;
	_ =	sdelay $0x5  }
0x97: {  	v16 =	vmul.f32 v16, v17;
	_ =	sdelay $0x1  }
0x98: {  	[tilespmem:s1+$0xFFFFFFF0] =	vst v16;
	v16 =	vld [tilespmem:s1+$0x0]  }
0x99: {  	v17 =	vld.idx.msk [tilespmem:v8+s21+$0x0], $0xffff;
	_ =	sdelay $0x5  }
0x9a: {  	v16 =	vmul.f32 v16, v17;
	_ =	sdelay $0x1  }
0x9b: {  	[tilespmem:s1+$0x0] =	vst v16;
	v16 =	vld [tilespmem:s1+$0x10]  }
0x9c: {  	v17 =	vld.idx.msk [tilespmem:v9+s21+$0x0], $0xffff;
	_ =	sdelay $0x5  }
0x9d: {  	v16 =	vmul.f32 v16, v17;
	_ =	sdelay $0x1  }
0x9e: {  	[tilespmem:s1+$0x10] =	vst v16;
	v16 =	vld [tilespmem:s1+$0x20]  }
0x9f: {  	v17 =	vld.idx.msk [tilespmem:v10+s21+$0x0], $0xffff;
	_ =	sdelay $0x5  }
0xa0: {  	v16 =	vmul.f32 v16, v17;
	_ =	sdelay $0x1  }
0xa1: {  	[tilespmem:s1+$0x20] =	vst v16;
	v16 =	vld [tilespmem:s1+$0x30]  }
0xa2: {  	v17 =	vld.idx.msk [tilespmem:v11+s21+$0x0], $0xffff;
	_ =	sdelay $0x5  }
0xa3: {  	v16 =	vmul.f32 v16, v17;
	_ =	sdelay $0x1  }
0xa4: {  	[tilespmem:s1+$0x30] =	vst v16;
	v16 =	vld [tilespmem:s1+$0x40]  }
0xa5: {  	v17 =	vld.idx.msk [tilespmem:v12+s21+$0x0], $0xffff;
	_ =	sdelay $0x5  }
0xa6: {  	v16 =	vmul.f32 v16, v17;
	_ =	sdelay $0x1  }
0xa7: {  	[tilespmem:s1+$0x40] =	vst v16;
	v16 =	vld [tilespmem:s1+$0x50]  }
0xa8: {  	v17 =	vld.idx.msk [tilespmem:v13+s21+$0x0], $0xffff;
	_ =	sdelay $0x5  }
0xa9: {  	v16 =	vmul.f32 v16, v17;
	_ =	sdelay $0x1  }
0xaa: {  	[tilespmem:s1+$0x50] =	vst v16;
	v16 =	vld [tilespmem:s1+$0x60]  }
0xab: {  	v17 =	vld.idx.msk [tilespmem:v14+s21+$0x0], $0xffff;
	_ =	sdelay $0x5  }
0xac: {  	v16 =	vmul.f32 v16, v17;
	_ =	sdelay $0x1  }
0xad: {  	[tilespmem:s1+$0x60] =	vst v16;
	v17 =	vld [tilespmem:s1+$0x70]  }
.Ltmp0:
0xae: {  	v18 =	vld.idx.msk [tilespmem:v15+s21+$0x0], $0xffff;
	(pc) =	sbr.rel @p1 .LBB2_2-.Ltmp0, $4  }
0xaf: {  	_ = 	snop  }
0xb0: {  	v16 =	vmov s23  }
0xb1: {  	v16 =	vshll.u32 v16, $0x3  }
0xb2: {  	v16 =	vor.u32 v0, v16  }
0xb3: {  	_ = 	snop  }
0xb4: {  	v17 =	vmul.f32 v17, v18;
	_ =	sdelay $0x1  }
0xb5: {  	[tilespmem:s2+$0x70] =	vst v17  }
0xb6: {  	v17 =	vld.idx.msk [tilespmem:v16+s19+$0x0], $0xffff  }
0xb7: {  	v16 =	vld.idx.msk [tilespmem:v16+s20+$0x0], $0xffff;
	_ =	sdelay $0x4  }
0xb8: {  	v16 =	vadd.f32 v16, v17;
	_ =	sdelay $0x1  }
0xb9: {  	v16 =	vadd.f32 $1.000000000e+00, v16;
	_ =	sdelay $0x1  }
0xba: {  	v17 =	vshra.s32 v16, $0x1;
	v16 =	vmul.f32 $5.000000000e-01, v16  }
0xbb: {  	v17 =	vsub.s32 $0x5F3759DF, v17  }
0xbc: {  	v63 =	vmul.f32 v17, v16;
	_ =	sdelay $0x1  }
0xbd: {  	v18 =	vmul.f32 v17, v63;
	_ =	sdelay $0x1  }
0xbe: {  	v18 =	vsub.f32 $1.500000000e+00, v18;
	_ =	sdelay $0x1  }
0xbf: {  	v17 =	vmul.f32 v17, v18;
	_ =	sdelay $0x1  }
0xc0: {  	v18 =	vmul.f32 v17, v16;
	_ =	sdelay $0x1  }
0xc1: {  	v18 =	vmul.f32 v18, v17;
	_ =	sdelay $0x1  }
0xc2: {  	v18 =	vsub.f32 $1.500000000e+00, v18;
	_ =	sdelay $0x1  }
0xc3: {  	v17 =	vmul.f32 v18, v17;
	_ =	sdelay $0x1  }
0xc4: {  	v16 =	vmul.f32 v17, v16;
	_ =	sdelay $0x1  }
0xc5: {  	v16 =	vmul.f32 v16, v17;
	_ =	sdelay $0x1  }
0xc6: {  	v16 =	vsub.f32 $1.500000000e+00, v16;
	_ =	sdelay $0x1  }
0xc7: {  	v16 =	vmul.f32 v16, v17;
	_ =	sdelay $0x1  }
0xc8: {  	[tilespmem:$0x16EE0] =	vst v16  }
0xc9: {  	s0 =	sadd.s32 $0x100, s1;
	v16 =	vld.msk [tilespmem:s21+$0x0], $0xffff  }
0xca: {  	v17 =	vld [tilespmem:s0+$0xFFFFFF80];
	_ =	sdelay $0x4  }
0xcb: {  	v16 =	vmul.f32 v17, v16;
	_ =	sdelay $0x1  }
0xcc: {  	[tilespmem:s0+$0xFFFFFF80] =	vst v16;
	v16 =	vld [tilespmem:s0+$0xFFFFFF90]  }
0xcd: {  	v17 =	vld.idx.msk [tilespmem:v2+s21+$0x0], $0xffff;
	_ =	sdelay $0x4  }
0xce: {  	v16 =	vmul.f32 v16, v17;
	_ =	sdelay $0x1  }
0xcf: {  	[tilespmem:s0+$0xFFFFFF90] =	vst v16;
	v16 =	vld [tilespmem:s0+$0xFFFFFFA0]  }
0xd0: {  	v17 =	vld.idx.msk [tilespmem:v3+s21+$0x0], $0xffff;
	_ =	sdelay $0x4  }
0xd1: {  	v16 =	vmul.f32 v16, v17;
	_ =	sdelay $0x1  }
0xd2: {  	[tilespmem:s0+$0xFFFFFFA0] =	vst v16;
	v16 =	vld [tilespmem:s0+$0xFFFFFFB0]  }
0xd3: {  	v17 =	vld.idx.msk [tilespmem:v1+s21+$0x0], $0xffff;
	_ =	sdelay $0x4  }
0xd4: {  	v16 =	vmul.f32 v16, v17;
	_ =	sdelay $0x1  }
0xd5: {  	[tilespmem:s0+$0xFFFFFFB0] =	vst v16;
	v16 =	vld [tilespmem:s0+$0xFFFFFFC0]  }
0xd6: {  	v17 =	vld.idx.msk [tilespmem:v4+s21+$0x0], $0xffff;
	_ =	sdelay $0x4  }
0xd7: {  	v16 =	vmul.f32 v16, v17;
	_ =	sdelay $0x1  }
0xd8: {  	[tilespmem:s0+$0xFFFFFFC0] =	vst v16;
	v16 =	vld [tilespmem:s0+$0xFFFFFFD0]  }
0xd9: {  	v17 =	vld.idx.msk [tilespmem:v5+s21+$0x0], $0xffff;
	_ =	sdelay $0x4  }
0xda: {  	v16 =	vmul.f32 v16, v17;
	_ =	sdelay $0x1  }
0xdb: {  	[tilespmem:s0+$0xFFFFFFD0] =	vst v16;
	v16 =	vld [tilespmem:s0+$0xFFFFFFE0]  }
0xdc: {  	v17 =	vld.idx.msk [tilespmem:v6+s21+$0x0], $0xffff;
	_ =	sdelay $0x4  }
0xdd: {  	v16 =	vmul.f32 v16, v17;
	_ =	sdelay $0x1  }
0xde: {  	[tilespmem:s0+$0xFFFFFFE0] =	vst v16;
	v16 =	vld [tilespmem:s0+$0xFFFFFFF0]  }
0xdf: {  	v17 =	vld.idx.msk [tilespmem:v7+s21+$0x0], $0xffff;
	_ =	sdelay $0x4  }
0xe0: {  	v16 =	vmul.f32 v16, v17;
	_ =	sdelay $0x1  }
0xe1: {  	[tilespmem:s0+$0xFFFFFFF0] =	vst v16;
	v16 =	vld [tilespmem:s0+$0x0]  }
0xe2: {  	v17 =	vld.idx.msk [tilespmem:v8+s21+$0x0], $0xffff;
	_ =	sdelay $0x4  }
0xe3: {  	v16 =	vmul.f32 v16, v17;
	_ =	sdelay $0x1  }
0xe4: {  	[tilespmem:s0+$0x0] =	vst v16;
	v16 =	vld [tilespmem:s0+$0x10]  }
0xe5: {  	v17 =	vld.idx.msk [tilespmem:v9+s21+$0x0], $0xffff;
	_ =	sdelay $0x4  }
0xe6: {  	v16 =	vmul.f32 v16, v17;
	_ =	sdelay $0x1  }
0xe7: {  	[tilespmem:s0+$0x10] =	vst v16;
	v16 =	vld [tilespmem:s0+$0x20]  }
0xe8: {  	v17 =	vld.idx.msk [tilespmem:v10+s21+$0x0], $0xffff;
	_ =	sdelay $0x4  }
0xe9: {  	v16 =	vmul.f32 v16, v17;
	_ =	sdelay $0x1  }
0xea: {  	[tilespmem:s0+$0x20] =	vst v16;
	v16 =	vld [tilespmem:s0+$0x30]  }
0xeb: {  	v17 =	vld.idx.msk [tilespmem:v11+s21+$0x0], $0xffff;
	_ =	sdelay $0x4  }
0xec: {  	v16 =	vmul.f32 v16, v17;
	_ =	sdelay $0x1  }
0xed: {  	[tilespmem:s0+$0x30] =	vst v16;
	v16 =	vld [tilespmem:s0+$0x40]  }
0xee: {  	v17 =	vld.idx.msk [tilespmem:v12+s21+$0x0], $0xffff;
	_ =	sdelay $0x4  }
0xef: {  	v16 =	vmul.f32 v16, v17;
	_ =	sdelay $0x1  }
0xf0: {  	[tilespmem:s0+$0x40] =	vst v16;
	v16 =	vld [tilespmem:s0+$0x50]  }
0xf1: {  	v17 =	vld.idx.msk [tilespmem:v13+s21+$0x0], $0xffff;
	_ =	sdelay $0x4  }
0xf2: {  	v16 =	vmul.f32 v16, v17;
	_ =	sdelay $0x1  }
0xf3: {  	[tilespmem:s0+$0x50] =	vst v16;
	v16 =	vld [tilespmem:s0+$0x60]  }
0xf4: {  	v17 =	vld.idx.msk [tilespmem:v14+s21+$0x0], $0xffff;
	_ =	sdelay $0x4  }
0xf5: {  	v16 =	vmul.f32 v16, v17;
	_ =	sdelay $0x1  }
0xf6: {  	[tilespmem:s0+$0x60] =	vst v16;
	v16 =	vld [tilespmem:s0+$0x70]  }
0xf7: {  	v17 =	vld.idx.msk [tilespmem:v15+s21+$0x0], $0xffff;
	_ =	sdelay $0x4  }
0xf8: {  	v16 =	vmul.f32 v16, v17;
	_ =	sdelay $0x1  }
0xf9: {  	[tilespmem:s0+$0x70] =	vst v16  }
0xfa: {  	[spmem:s10] =	stream.linear.scatter [tilespmem:s18], [sflag:$0x3], $0x2800, $0x38;
	[tilespmem:$0x16EF0] =	vst v63  }
0xfb: {  	_ =	swait.ge [sflag:s17], $0x2800  }
0xfc: {  	[sflag:s17] =	ssyncset.done $0x0  }
0xfd: {  	s1 =	simm.s32 @!p0 $0x11EE0;
	s0 =	simm.s32 @!p0 $0x0;
	[sflag:s17] =	ssyncadd.s32 $0xFFFFD800  }
0xfe: {  	[hbm4b:s11+s0] =	stream.linear.scatter @!p0 [tilespmem:s1], [sflag:$0x3], $0x2800, $0x38;
	[tilespmem:$0x16EF0] =	vst v63  }
0xff: {  	s0 =	simm.s32 @!p0 $0x3  }
0x100: {  	_ =	swait.ge @!p0 [sflag:s0], $0x2800  }
0x101: {  	[sflag:s0] =	ssyncset.done @!p0 $0x0  }
0x102: {  	[sflag:s0] =	ssyncadd.s32 @!p0 $0xFFFFD800;
	s0 =	simm.s32 $0x0  }
0x103: {  	[tilespmem:s0], [sflag:$0x3] =	stream.linear.gather [hbm4b:s12+s0], $0x5000, $0x38;
	[tilespmem:$0x16EF0] =	vst v63  }
0x104: {  	_ =	swait.ge [sflag:s17], $0x5000  }
0x105: {  	[sflag:s17] =	ssyncset.done $0x0  }
0x106: {  	s1 =	simm.s32 $0x5000;
	[sflag:s17] =	ssyncadd.s32 $0xFFFFB000  }
0x107: {  	[tilespmem:s1], [sflag:$0x3] =	stream.linear.gather [hbm4b:s13+s0], $0x5000, $0x38;
	[tilespmem:$0x16EF0] =	vst v63  }
0x108: {  	_ =	swait.ge [sflag:s17], $0x5000  }
0x109: {  	[sflag:s17] =	ssyncset.done $0x0  }
0x10a: {  	[sflag:s17] =	ssyncadd.s32 $0xFFFFB000  }
0x10b: {  	s23 =	simm.s32 $0xA000;
	[bflag:$0x0] =	sbarrier.arrive $0xFFFF  }
0x10c: {  	[tilespmem:s23], [sflag:$0x1] =	stream.indirect.gather [spmem:s4], $0x10, s0, s22, $0xb8;
	[tilespmem:$0x16EF0] =	vst v63  }
0x10d: {  	s24 =	simm.s32 $0x80  }
0x10e: {  	[tilespmem:s25], [sflag:$0x1] =	stream.indirect.gather [spmem:s4], $0x10, s24, s22, $0xb8;
	[tilespmem:$0x16EF0] =	vst v63  }
0x10f: {  	s2 =	simm.s32 $0x180  }
0x110: {  	[tilespmem:s28], [sflag:$0x1] =	stream.indirect.gather [spmem:s4], $0x10, s26, s22, $0xb8;
	[tilespmem:$0x16EF0] =	vst v63  }
.LBB2_4:
0x111: {  	s23 =	smul.u32 $0xAB, s0;
	_ =	sdelay $0x1  }
0x112: {  	s23 =	sshrl.u32 s23, $0xA  }
0x113: {  	s23 =	sand.u32 $0x3F, s23  }
0x114: {  	s23 =	smul.u32 $0x6, s23;
	_ =	sdelay $0x1  }
0x115: {  	s23 =	ssub.s32 s0, s23  }
0x116: {  	s23 =	sand.u32 $0xFF, s23  }
0x117: {  	s23 =	smul.u32 $0x1F40, s23  }
0x118: {  	_ =	swait.ge [sflag:s29], $0x7D0  }
0x119: {  	[sflag:s29] =	ssyncset.done $0x0;
	s23 =	sshrl.u32 s23, $0x2  }
0x11a: {  	p1 =	slt.u32 s0, $0x3;
	[sflag:s29] =	ssyncadd.s32 $0xFFFFF830;
	s23 =	sadd.s32 $0xA000, s23  }
0x11b: {  	[spmem:s3] =	stream.indirect.scatter.add.f32 [tilespmem:s23], [sflag:$0x2], $0x10, s1, s22, $0xb8;
	[tilespmem:$0x16EF0] =	vst v63  }
0x11c: {  	s23 =	simm.s32 @!p1 $0x2  }
0x11d: {  	p2 =	sgt.u32 @!p1 s0, $0x9C;
	_ =	swait.ge @!p1 [sflag:s23], $0x7D0  }
0x11e: {  	p2 =	por p1, !p2;
	[sflag:s23] =	ssyncset.done @!p1 $0x0  }
0x11f: {  	[sflag:s23] =	ssyncadd.s32 @!p1 $0xFFFFF830;
	s23 =	sadd.s32 @p2 $0x3, s0  }
0x120: {  	s24 =	smul.u32 @p2 $0xAB, s23;
	_ =	sdelay $0x1  }
0x121: {  	s24 =	sshrl.u32 @p2 s24, $0xA  }
0x122: {  	s24 =	sand.u32 @p2 $0x3F, s24  }
0x123: {  	s24 =	smul.u32 @p2 $0x6, s24;
	_ =	sdelay $0x1  }
0x124: {  	s23 =	ssub.s32 @p2 s23, s24  }
0x125: {  	s0 =	sadd.s32 $0x1, s0;
	s23 =	sand.u32 @p2 $0xFF, s23  }
0x126: {  	p1 =	sne.s32 s0, $0xA0;
	s23 =	smul.u32 @p2 $0x1F40, s23  }
.Ltmp1:
0x127: {  	_ = 	snop;
	(pc) =	sbr.rel @p1 .LBB2_4-.Ltmp1, $4  }
0x128: {  	s23 =	sshrl.u32 @p2 s23, $0x2  }
0x129: {  	s23 =	sadd.s32 @p2 $0xA000, s23  }
0x12a: {  	[tilespmem:s23], [sflag:$0x1] =	stream.indirect.gather @p2 [spmem:s4], $0x10, s2, s22, $0xb8;
	[tilespmem:$0x16EF0] =	vst v63  }
0x12b: {  	s1 =	sadd.s32 $0x80, s1;
	s2 =	sadd.s32 $0x80, s2  }
0x12c: {  	_ =	swait.ge [sflag:s30], $0x7D0  }
0x12d: {  	[sflag:s30] =	ssyncset.done $0x0  }
0x12e: {  	[sflag:s30] =	ssyncadd.s32 $0xFFFFF830  }
0x12f: {  	_ =	swait.ge [sflag:s30], $0x7D0  }
0x130: {  	[sflag:s30] =	ssyncset.done $0x0  }
0x131: {  	[sflag:s30] =	ssyncadd.s32 $0xFFFFF830  }
0x132: {  	_ =	swait.ge [sflag:s30], $0x7D0  }
0x133: {  	s31 =	sadd.s32 $0x1, s31;
	[sflag:s30] =	ssyncset.done $0x0  }
0x134: {  	p1 =	sne.s32 s31, s15;
	[sflag:s30] =	ssyncadd.s32 $0xFFFFF830  }
.Ltmp2:
0x135: {  	[bflag:$0x0] =	sbarrier.arrive $0xFFFF;
	(pc) =	sbr.rel @p1 .LBB2_1-.Ltmp2, $4  }
0x136: {  	[hbm:s14], [sflag:s6] =	dma.local [spmem:s16], $0x500  }
0x137: {  	_ =	swait.ge [sflag:s17], $0x500  }
0x138: {  	[sflag:s17] =	ssyncset.done $0x0  }
0x139: {  	[sflag:s17] =	ssyncadd.s32 $0xFFFFFB00  }
0x13a: {  	_ =	sfence.sel $0x180000  }
0x13b: {  	[bflag:$0x0] =	sbarrier.arrive $0xFFFF  }
0x13c: {  	_ =	strace $0x9000004A  }
0x13d: {  	s0 =	stileid.u32;
	[bflag:$0x2] =	sbarrier.arrive $0xFFFF  }
0x13e: {  	p0 =	sne.s32 s0, $0x0;
	s0 =	rddreg [dreg:$0x4]  }
0x13f: {  	s0 =	sadd.s32 @!p0 $0x100000, s0  }
0x140: {  	[sflag:s0] =	ssyncadd.tile.s32 @!p0 $0x1;
	_ =	shalt  }
.Lfunc_end2:
_tile_overlayer_lowered:
.L_overlay_start_2:
0x141: {  	(tag) =	ssettag $0x2  }
0x142: {  	s0 =	rddreg [dreg:$0x0];
	s2 =	stileid.u32  }
0x143: {  	s1 =	rddreg [dreg:$0x1];
	p0 =	sne.s32 s2, $0x0  }
0x144: {  	s3 =	rddreg [dreg:$0x2];
	[bflag:$0x3] =	sbarrier.arrive $0xFFFF;
	s2 =	simm.s32 @!p0 $0x1C03  }
0x145: {  	[timem:s3], [sflag:s2] =	dma.local @!p0 [hbm:s0], s1  }
0x146: {  	s0 =	simm.s32 @!p0 $0x3  }
0x147: {  	_ =	swait.ge @!p0 [sflag:s0], s1  }
0x148: {  	s1 =	ssub.s32 @!p0 $0x0, s1;
	[sflag:s0] =	ssyncset.done @!p0 $0x0  }
0x149: {  	[sflag:s0] =	ssyncadd.s32 @!p0 s1  }
0x14a: {  	[bflag:$0x3] =	sbarrier.arrive $0xFFFF  }
0x14b: {  	_ =	shalt  }

// kernel: kernel.14.cloned.1.call-start
scs
__scs_entry_jumppad:
0x0: {  	(pc) =	sbr.rel $0x88, $3  }
0x1: {  	(tag) =	ssettag $0x0;
	lr =	simm.s32 $0x1  }
0x2: {  	[smem:$0x3F9B] =	sst lr;
	_ =	strace $0xD0000000  }
0x3: {  	_ = 	snop  }
0x4: {  	_ = 	snop  }
0x5: {  	_ = 	snop  }
0x6: {  	_ = 	snop  }
0x7: {  	_ = 	snop  }
__scs_overlays_trampoline_lowered:
0x8: {  	[smem:$0x3FAA] =	sst s0  }
0x9: {  	[smem:$0x3FAB] =	sst s1  }
0xa: {  	[smem:$0x3FAC] =	sst s2  }
0xb: {  	[smem:$0x3FAD] =	sst s3  }
0xc: {  	[smem:$0x3FAE] =	sst s4  }
0xd: {  	[smem:$0x3FAF] =	sst s5  }
0xe: {  	[smem:$0x3FB0] =	sst s6  }
0xf: {  	[smem:$0x3FB1] =	sst s7  }
0x10: {  	[smem:$0x3FB2] =	sst s8  }
0x11: {  	[smem:$0x3FB3] =	sst s9;
	s0 =	simm.s32 @!p0 $0x0  }
0x12: {  	s1 =	sld [smem:$0x3F99];
	s0 =	simm.s32 @p0 $0x1  }
0x13: {  	[smem:$0x3FB4] =	sst s0;
	s0 =	simm.s32 @!p1 $0x0  }
0x14: {  	s2 =	sld [smem:$0x3F98];
	s0 =	simm.s32 @p1 $0x1  }
0x15: {  	[smem:$0x3FB5] =	sst s0;
	s0 =	simm.s32 @!p2 $0x0  }
0x16: {  	s3 =	sld [smem:$0x3FDB];
	s0 =	simm.s32 @p2 $0x1  }
0x17: {  	s4 =	simm.s32 $0x1BF5;
	[smem:$0x3FB7] =	sst s0  }
0x18: {  	s0 =	sld [smem:$0x3F9A];
	_ =	swait.ge [sflag:s4], $0x0  }
0x19: {  	s7 =	sld [smem:$0x3F9B]  }
0x1a: {  	s8 =	sadd.s32 $0xFFFFE003, lr  }
0x1b: {  	s9 =	sadd.s32 $0xFFFFFEF7, lr;
	s5 =	simm.s32 $0xFFFFFFFF;
	p2 =	slt.u32 s8, $0xFFFFF086  }
0x1c: {  	p1 =	slt.u32 s9, $0xF7A;
	s5 =	simm.s32 @!p2 $0x0  }
0x1d: {  	s5 =	simm.s32 @p1 $0x1;
	p0 =	seq.s32 s7, s2  }
0x1e: {  	s7 =	smul.u32 @!p0 $0xF7A, s2;
	p2 =	seq.s32 @!p0 s5, $0x0  }
0x1f: {  	s9 =	smul.u32 $0xF7A, s1;
	s8 =	simm.s32 @!p0 $0x1BF5;
	p2 =	por !p2, p0  }
0x20: {  	[sflag:s8] =	ssyncset.s32 @!p0 $0xFFFFF086;
	s6 =	sadd.s32 @!p0 s3, s7;
	s7 =	simm.s32 @!p0 $0x108  }
0x21: {  	s3 =	sadd.s32 s3, s9;
	s6 =	sadd.s32 @!p0 $0x88, s6;
	s7 =	simm.s32 @p2 $0x1082  }
0x22: {  	[simem:s7], [sflag:s8] =	dma.local @!p0 [hbm:s6], $0xF7A  }
0x23: {  	s9 =	sor.u32 $0xD0000000, s2;
	s6 =	simm.s32 $0x108;
	_ =	swait.ge @!p0 [sflag:s8], $0x0  }
0x24: {  	s3 =	sadd.s32 $0x88, s3;
	s6 =	simm.s32 @!p1 $0x1082;
	[sflag:s4] =	ssyncset.s32 $0xFFFFF086  }
0x25: {  	[simem:s6], [sflag:s4] =	dma.local [hbm:s3], $0xF7A  }
0x26: {  	[smem:$0x3F9B] =	sst s1;
	(tag) =	ssettag s2;
	_ =	strace s9  }
0x27: {  	s1 =	sld [smem:$0x3FAB]  }
0x28: {  	s2 =	sld [smem:$0x3FAC]  }
0x29: {  	s4 =	sld [smem:$0x3FAE]  }
0x2a: {  	p0 =	seq.s32 s5, $0x0;
	s5 =	sld [smem:$0x3FAF]  }
0x2b: {  	s6 =	sld [smem:$0x3FB0]  }
0x2c: {  	s7 =	sld [smem:$0x3FB1]  }
0x2d: {  	s3 =	simm.s32 $0x108;
	s8 =	sld [smem:$0x3FB2]  }
0x2e: {  	s3 =	simm.s32 @!p0 $0x1082;
	s9 =	sld [smem:$0x3FB3]  }
0x2f: {  	lr =	sadd.s32 s0, s3;
	s0 =	sld [smem:$0x3FAA]  }
0x30: {  	s3 =	sld [smem:$0x3FAD]  }
0x31: {  	[smem:$0x3FB6] =	sst s10  }
0x32: {  	s10 =	sld [smem:$0x3FB4];
	_ =	sdelay $0x3  }
0x33: {  	p0 =	seq.s32 s10, $0x1;
	s10 =	sld [smem:$0x3FB6];
	_ =	sdelay $0x3  }
0x34: {  	[smem:$0x3FB6] =	sst s10  }
0x35: {  	s10 =	sld [smem:$0x3FB5];
	_ =	sdelay $0x3  }
0x36: {  	p1 =	seq.s32 s10, $0x1;
	s10 =	sld [smem:$0x3FB6];
	_ =	sdelay $0x3  }
0x37: {  	[smem:$0x3FB6] =	sst s10  }
0x38: {  	s10 =	sld [smem:$0x3FB7]  }
0x39: {  	_ = 	snop;
	(pc) =	sbr.ind lr, $3  }
0x3a: {  	_ = 	snop  }
0x3b: {  	_ = 	snop  }
0x3c: {  	p2 =	seq.s32 s10, $0x1;
	s10 =	sld [smem:$0x3FB6]  }
0x3d: {  	_ =	shalt  }
0x3e: {  	_ =	shalt  }
0x3f: {  	_ =	shalt  }
0x40: {  	_ =	shalt  }
0x41: {  	_ =	shalt  }
0x42: {  	_ =	shalt  }
0x43: {  	_ =	shalt  }
0x44: {  	_ =	shalt  }
0x45: {  	_ =	shalt  }
0x46: {  	_ =	shalt  }
0x47: {  	_ =	shalt  }
0x48: {  	_ =	shalt  }
0x49: {  	_ =	shalt  }
0x4a: {  	_ =	shalt  }
0x4b: {  	_ =	shalt  }
0x4c: {  	_ =	shalt  }
0x4d: {  	_ =	shalt  }
0x4e: {  	_ =	shalt  }
0x4f: {  	_ =	shalt  }
0x50: {  	_ =	shalt  }
0x51: {  	_ =	shalt  }
0x52: {  	_ =	shalt  }
0x53: {  	_ =	shalt  }
0x54: {  	_ =	shalt  }
0x55: {  	_ =	shalt  }
0x56: {  	_ =	shalt  }
0x57: {  	_ =	shalt  }
0x58: {  	_ =	shalt  }
0x59: {  	_ =	shalt  }
0x5a: {  	_ =	shalt  }
0x5b: {  	_ =	shalt  }
0x5c: {  	_ =	shalt  }
0x5d: {  	_ =	shalt  }
0x5e: {  	_ =	shalt  }
0x5f: {  	_ =	shalt  }
0x60: {  	_ =	shalt  }
0x61: {  	_ =	shalt  }
0x62: {  	_ =	shalt  }
0x63: {  	_ =	shalt  }
0x64: {  	_ =	shalt  }
0x65: {  	_ =	shalt  }
0x66: {  	_ =	shalt  }
0x67: {  	_ =	shalt  }
0x68: {  	_ =	shalt  }
0x69: {  	_ =	shalt  }
0x6a: {  	_ =	shalt  }
0x6b: {  	_ =	shalt  }
0x6c: {  	_ =	shalt  }
0x6d: {  	_ =	shalt  }
0x6e: {  	_ =	shalt  }
0x6f: {  	_ =	shalt  }
0x70: {  	_ =	shalt  }
0x71: {  	_ =	shalt  }
0x72: {  	_ =	shalt  }
0x73: {  	_ =	shalt  }
0x74: {  	_ =	shalt  }
0x75: {  	_ =	shalt  }
0x76: {  	_ =	shalt  }
0x77: {  	_ =	shalt  }
0x78: {  	_ =	shalt  }
0x79: {  	_ =	shalt  }
0x7a: {  	_ =	shalt  }
0x7b: {  	_ =	shalt  }
0x7c: {  	_ =	shalt  }
0x7d: {  	_ =	shalt  }
0x7e: {  	_ =	shalt  }
0x7f: {  	_ =	shalt  }
0x80: {  	_ =	shalt  }
0x81: {  	_ =	shalt  }
0x82: {  	_ =	shalt  }
0x83: {  	_ =	shalt  }
0x84: {  	_ =	shalt  }
0x85: {  	_ =	shalt  }
0x86: {  	_ =	shalt  }
0x87: {  	_ =	shalt  }
.Lfunc_end0:
.L_simem_size_0:
called_computation.2_lowered:
.L_overlay_start_0:
0x88: {  	s2 =	sld [smem:$0x3FD9]  }
0x89: {  	s3 =	sld [smem:$0x3FFE];
	_ =	sdelay $0x1  }
0x8a: {  	s1 =	srdreg.scid  }
0x8b: {  	s0 =	sand.u32 $0x1, s1  }
0x8c: {  	s17 =	sshll.u32 s0, $0xA;
	s2 =	sadd.s32 s3, s2  }
0x8d: {  	s2 =	sadd.s32 s2, s17  }
0x8e: {  	[smem:$0x3FC2] =	sst s2  }
0x8f: {  	_ = 	snop  }
0x90: {  	s2 =	sld [smem:$0x3FD0];
	(tm) =	ssettm $0x1  }
0x91: {  	s18 =	sld [smem:$0x3FFB];
	_ =	sdelay $0x3  }
0x92: {  	_ =	strace s18  }
0x93: {  	s3 =	sld [smem:$0x3FFC];
	_ =	sdelay $0x3  }
0x94: {  	_ =	strace s3  }
0x95: {  	s3 =	sld [smem:$0x3FFD];
	_ =	sdelay $0x3  }
0x96: {  	_ =	strace s3  }
0x97: {  	_ =	strace $0x8FFFFFFF  }
0x98: {  	s19 =	sld [smem:$0x3FDB];
	_ =	sdelay $0x1  }
0x99: {  	s4 =	simm.s32 $_scs_section_size  }
0x9a: {  	s5 =	simm.s32 $_size__tile_overlayer_lowered;
	s6 =	simm.s32 $_tile_overlayer_lowered  }
0x9b: {  	s22 =	simm.s32 $0x1BFF;
	s21 =	sshll.u32 s6, $0x1;
	s3 =	sadd.s32 s4, s19  }
0x9c: {  	s7 =	simm.s32 $0x0;
	s20 =	sshll.u32 s5, $0x1;
	s5 =	sadd.s32 s21, s3  }
0x9d: {  	[timem:s7], [sflag:s22] =	dma.local [hbm:s5], s20  }
0x9e: {  	_ =	swait.ge [sflag:s22], s20  }
0x9f: {  	s4 =	ssub.s32 $0x0, s20;
	[sflag:s22] =	ssyncset.done $0x0  }
0xa0: {  	[sflag:s22] =	ssyncadd.s32 s4;
	_ =	sdelay $0x1  }
0xa1: {  	s23 =	simm.s32 $0x1B8B  }
0xa2: {  	_ =	swait.ge [sflag:s23], $0x1  }
0xa3: {  	[sflag:s23] =	ssyncset.done $0x0  }
0xa4: {  	s25 =	simm.s32 $0x1B8E;
	s24 =	sld [smem:$0x3FFE];
	[sflag:s23] =	ssyncadd.s32 $0xFFFFFFFF  }
0xa5: {  	s26 =	simm.s32 $execute0_lowered;
	[smem:$0x3FD2] =	sst s25  }
0xa6: {  	s5 =	sshll.u32 s26, $0x1;
	_ =	strace $0x8000004C;
	[dreg:$0x1] =	wrdreg $0xFFFFFFFF  }
0xa7: {  	s28 =	simm.s32 $_size_execute0_lowered;
	s3 =	sadd.s32 s3, s5;
	[dreg:$0x0] =	wrdreg $0x0  }
0xa8: {  	s5 =	sshll.u32 s28, $0x1;
	[dreg:$0x2] =	wrdreg s3  }
0xa9: {  	[dreg:$0x3] =	wrdreg s5  }
0xaa: {  	[dreg:$0x4] =	wrdreg $0xC0  }
0xab: {  	_ =	task [dreg:s7], $0x5FFFF  }
0xac: {  	[dreg:$0x1] =	wrdreg $0xFFFFFFFF  }
0xad: {  	[dreg:$0x0] =	wrdreg $0x60  }
0xae: {  	[dreg:$0x2] =	wrdreg s24  }
0xaf: {  	[dreg:$0x3] =	wrdreg s2  }
0xb0: {  	[dreg:$0x4] =	wrdreg $0xCEE00  }
0xb1: {  	[dreg:$0x5] =	wrdreg $0xF6E00  }
0xb2: {  	[dreg:$0x6] =	wrdreg $0x9  }
0xb3: {  	_ =	task.clear_ibuf [dreg:s7], $0x7FFFF;
	_ =	strace $0x9000004C  }
0xb4: {  	s29 =	simm.s32 $0x9;
	_ =	strace $0x8000004E  }
0xb5: {  	_ =	swait.ge [sflag:s29], $0x1  }
0xb6: {  	[sflag:s29] =	ssyncadd.s32 $0xFFFFFFFF  }
0xb7: {  	_ =	strace $0x9000004E  }
0xb8: {  	_ =	sfence  }
0xb9: {  	s30 =	sld [smem:$0x0];
	_ =	sdelay $0x2  }
0xba: {  	s31 =	sshll.u32 s1, $0xD;
	s1 =	sshrl.u32 s1, $0x2  }
0xbb: {  	s3 =	sand.u32 $0x4000, s31;
	s1 =	sadd.s32 s1, s30  }
0xbc: {  	s0 =	sor.u32 s3, s0;
	s1 =	sshll.u32 s1, $0x11  }
0xbd: {  	s0 =	sor.u32 s1, s0  }
0xbe: {  	s0 =	sadd.s32 $0x8F2B, s0  }
0xbf: {  	[sflag:s0] =	ssyncadd.remote.s32 $0x1  }
0xc0: {  	_ =	sfence.sel $0xFFFF  }
0xc1: {  	[dreg:$0x0] =	wrdreg $0xFFFFFFFF;
	(pc) =	sbr.abs _section_cstart, $3  }
0xc2: {  	[dreg:$0x1] =	wrdreg $0xFFFFFFFF  }
0xc3: {  	_ =	task.clear_ibuf [dreg:s7], $0x2FFFF;
	_ =	strace $0x9FFFFFFF  }
0xc4: {  	(tm) =	ssettm $0x7FFFFFFF  }
0xc5: {  	_ =	shalt  }
tec
execute0_lowered:
.L_overlay_start_1:
0x0: {  	(tag) =	ssettag $0x1  }
0x1: {  	s6 =	rddreg [dreg:$0x0]  }
0x2: {  	s1 =	rddreg [dreg:$0x1]  }
0x3: {  	s0 =	srdreg.scid;
	s3 =	rddreg [dreg:$0x2]  }
0x4: {  	s4 =	rddreg [dreg:$0x3];
	s5 =	simm.s32 $0x0;
	s16 =	simm.s32 $0xA000  }
0x5: {  	s17 =	simm.s32 $0x80;
	s18 =	simm.s32 $0xA7D0;
	s19 =	simm.s32 $0x100  }
0x6: {  	s20 =	simm.s32 $0xAFA0;
	s21 =	simm.s32 $0x1;
	s22 =	simm.s32 $0x2  }
0x7: {  	s23 =	simm.s32 $0x0;
	s7 =	sand.u32 $0x1, s0;
	s0 =	stileid.u32  }
0x8: {  	[smem:$0x7FF] =	sst s5;
	s2 =	sshll.u32 s7, $0x4;
	s9 =	smul.u32 $0x2800, s0  }
0x9: {  	s10 =	smul.u32 $0x28000, s7;
	s7 =	ssub.s32 $0x2, s7;
	s2 =	sor.u32 s0, s2  }
0xa: {  	s12 =	sshll.u32 s0, $0x6;
	s31 =	sshrl.u32 s7, $0x1;
	s8 =	smul.u32 $0xA00, s2  }
0xb: {  	s2 =	rddreg [dreg:$0x4];
	_ =	strace $0x8000004D;
	s30 =	sshrl.u32 s9, $0x3  }
0xc: {  	s10 =	sadd.s32 s9, s10;
	s13 =	ssub.s32 s7, s31;
	s14 =	sadd.s32 s9, s3  }
0xd: {  	s15 =	sadd.s32 s9, s4;
	s10 =	sshrl.u32 s10, $0x3;
	s11 =	sadd.s32 s8, s6  }
0xe: {  	s8 =	sadd.s32 s30, s6;
	s10 =	sadd.s32 s10, s6;
	s6 =	sor.u32 $0x1C03, s12  }
0xf: {  	s12 =	sshrl.u32 s14, $0x3;
	s14 =	sshrl.u32 s15, $0x3;
	s15 =	simm.s32 $0x7D  }
0x10: {  	s7 =	sadd.s32 $0x15400, s8;
	s8 =	sadd.s32 $0x1A600, s11;
	s9 =	sadd.s32 $0x1400, s11  }
0x11: {  	s10 =	sadd.s32 $0x2E600, s10;
	s11 =	smax.u32 s13, $0x1;
	s13 =	simm.s32 $0x3  }
.LBB2_1:
0x12: {  	[spmem:s12], [sflag:s6] =	dma.local [hbm:s1], $0x500  }
0x13: {  	_ =	swait.ge [sflag:s13], $0x500  }
0x14: {  	[sflag:s13] =	ssyncset.done $0x0  }
0x15: {  	[sflag:s13] =	ssyncadd.s32 $0xFFFFFB00  }
0x16: {  	[spmem:s14], [sflag:s6] =	dma.local [hbm:s7], $0x500  }
0x17: {  	_ =	swait.ge [sflag:s13], $0x500  }
0x18: {  	[sflag:s13] =	ssyncset.done $0x0  }
0x19: {  	[sflag:s13] =	ssyncadd.s32 $0xFFFFFB00  }
0x1a: {  	[tilespmem:s5], [sflag:$0x3] =	stream.linear.gather [hbm4b:s8+s5], $0x5000, $0x38;
	[tilespmem:$0x11EE0] =	vst v63  }
0x1b: {  	_ =	swait.ge [sflag:s13], $0x5000  }
0x1c: {  	[sflag:s13] =	ssyncset.done $0x0  }
0x1d: {  	s24 =	simm.s32 $0x5000;
	[sflag:s13] =	ssyncadd.s32 $0xFFFFB000  }
0x1e: {  	[tilespmem:s24], [sflag:$0x3] =	stream.linear.gather [hbm4b:s9+s5], $0x5000, $0x38;
	[tilespmem:$0x11EE0] =	vst v63  }
0x1f: {  	_ =	swait.ge [sflag:s13], $0x5000  }
0x20: {  	[sflag:s13] =	ssyncset.done $0x0  }
0x21: {  	[sflag:s13] =	ssyncadd.s32 $0xFFFFB000  }
0x22: {  	[bflag:$0x0] =	sbarrier.arrive $0xFFFF  }
0x23: {  	[tilespmem:s16], [sflag:$0x1] =	stream.indirect.gather [spmem:s4], $0x10, s5, s15, $0xb8;
	[tilespmem:$0x11EE0] =	vst v63  }
0x24: {  	_ = 	snop  }
0x25: {  	[tilespmem:s18], [sflag:$0x1] =	stream.indirect.gather [spmem:s4], $0x10, s17, s15, $0xb8;
	[tilespmem:$0x11EE0] =	vst v63  }
0x26: {  	s25 =	simm.s32 $0x180;
	s26 =	simm.s32 $0x0  }
0x27: {  	[tilespmem:s20], [sflag:$0x1] =	stream.indirect.gather [spmem:s4], $0x10, s19, s15, $0xb8;
	[tilespmem:$0x11EE0] =	vst v63  }
.LBB2_2:
0x28: {  	s28 =	smul.u32 $0xAB, s26;
	_ =	sdelay $0x1  }
0x29: {  	s28 =	sshrl.u32 s28, $0xA  }
0x2a: {  	s28 =	sand.u32 $0x3F, s28  }
0x2b: {  	s28 =	smul.u32 $0x6, s28;
	_ =	sdelay $0x1  }
0x2c: {  	s28 =	ssub.s32 s26, s28  }
0x2d: {  	s28 =	sand.u32 $0xFF, s28  }
0x2e: {  	s28 =	smul.u32 $0x1F40, s28  }
0x2f: {  	_ =	swait.ge [sflag:s21], $0x7D0  }
0x30: {  	[sflag:s21] =	ssyncset.done $0x0;
	s28 =	sshrl.u32 s28, $0x2  }
0x31: {  	p0 =	slt.u32 s26, $0x3;
	[sflag:s21] =	ssyncadd.s32 $0xFFFFF830;
	s28 =	sadd.s32 $0xA000, s28  }
0x32: {  	[spmem:s3] =	stream.indirect.scatter.add.f32 [tilespmem:s28], [sflag:$0x2], $0x10, s24, s15, $0xb8;
	[tilespmem:$0x11EE0] =	vst v63  }
0x33: {  	s28 =	simm.s32 @!p0 $0x2  }
0x34: {  	p1 =	sgt.u32 @!p0 s26, $0x9C;
	_ =	swait.ge @!p0 [sflag:s28], $0x7D0  }
0x35: {  	p1 =	por p0, !p1;
	[sflag:s28] =	ssyncset.done @!p0 $0x0  }
0x36: {  	[sflag:s28] =	ssyncadd.s32 @!p0 $0xFFFFF830;
	s28 =	sadd.s32 @p1 $0x3, s26  }
0x37: {  	s29 =	smul.u32 @p1 $0xAB, s28;
	_ =	sdelay $0x1  }
0x38: {  	s29 =	sshrl.u32 @p1 s29, $0xA  }
0x39: {  	s29 =	sand.u32 @p1 $0x3F, s29  }
0x3a: {  	s29 =	smul.u32 @p1 $0x6, s29;
	_ =	sdelay $0x1  }
0x3b: {  	s28 =	ssub.s32 @p1 s28, s29  }
0x3c: {  	s26 =	sadd.s32 $0x1, s26;
	s28 =	sand.u32 @p1 $0xFF, s28  }
0x3d: {  	p0 =	sne.s32 s26, $0xA0;
	s28 =	smul.u32 @p1 $0x1F40, s28  }
.Ltmp0:
0x3e: {  	_ = 	snop;
	(pc) =	sbr.rel @p0 .LBB2_2-.Ltmp0, $4  }
0x3f: {  	s28 =	sshrl.u32 @p1 s28, $0x2  }
0x40: {  	s28 =	sadd.s32 @p1 $0xA000, s28  }
0x41: {  	[tilespmem:s28], [sflag:$0x1] =	stream.indirect.gather @p1 [spmem:s4], $0x10, s25, s15, $0xb8;
	[tilespmem:$0x11EE0] =	vst v63  }
0x42: {  	s24 =	sadd.s32 $0x80, s24;
	s25 =	sadd.s32 $0x80, s25  }
0x43: {  	_ =	swait.ge [sflag:s22], $0x7D0  }
0x44: {  	[sflag:s22] =	ssyncset.done $0x0  }
0x45: {  	[sflag:s22] =	ssyncadd.s32 $0xFFFFF830  }
0x46: {  	_ =	swait.ge [sflag:s22], $0x7D0  }
0x47: {  	[sflag:s22] =	ssyncset.done $0x0  }
0x48: {  	[sflag:s22] =	ssyncadd.s32 $0xFFFFF830  }
0x49: {  	_ =	swait.ge [sflag:s22], $0x7D0  }
0x4a: {  	s23 =	sadd.s32 $0x1, s23;
	[sflag:s22] =	ssyncset.done $0x0  }
0x4b: {  	p0 =	sne.s32 s23, s11;
	[sflag:s22] =	ssyncadd.s32 $0xFFFFF830  }
.Ltmp1:
0x4c: {  	[bflag:$0x0] =	sbarrier.arrive $0xFFFF;
	(pc) =	sbr.rel @p0 .LBB2_1-.Ltmp1, $4  }
0x4d: {  	[hbm:s10], [sflag:s6] =	dma.local [spmem:s12], $0x500  }
0x4e: {  	_ =	swait.ge [sflag:s13], $0x500  }
0x4f: {  	[sflag:s13] =	ssyncset.done $0x0  }
0x50: {  	[sflag:s13] =	ssyncadd.s32 $0xFFFFFB00  }
0x51: {  	_ =	sfence.sel $0x180000  }
0x52: {  	[bflag:$0x0] =	sbarrier.arrive $0xFFFF  }
0x53: {  	p0 =	sne.s32 s0, $0x0;
	_ =	strace $0x9000004D  }
0x54: {  	s0 =	sadd.s32 @!p0 $0x100000, s2;
	[bflag:$0x2] =	sbarrier.arrive $0xFFFF  }
0x55: {  	[sflag:s0] =	ssyncadd.tile.s32 @!p0 $0x1;
	_ =	shalt  }
.Lfunc_end2:
_tile_overlayer_lowered:
.L_overlay_start_2:
0x56: {  	(tag) =	ssettag $0x2  }
0x57: {  	s0 =	rddreg [dreg:$0x0];
	s2 =	stileid.u32  }
0x58: {  	s1 =	rddreg [dreg:$0x1];
	p0 =	sne.s32 s2, $0x0  }
0x59: {  	s3 =	rddreg [dreg:$0x2];
	[bflag:$0x3] =	sbarrier.arrive $0xFFFF;
	s2 =	simm.s32 @!p0 $0x1C03  }
0x5a: {  	[timem:s3], [sflag:s2] =	dma.local @!p0 [hbm:s0], s1  }
0x5b: {  	s0 =	simm.s32 @!p0 $0x3  }
0x5c: {  	_ =	swait.ge @!p0 [sflag:s0], s1  }
0x5d: {  	s1 =	ssub.s32 @!p0 $0x0, s1;
	[sflag:s0] =	ssyncset.done @!p0 $0x0  }
0x5e: {  	[sflag:s0] =	ssyncadd.s32 @!p0 s1  }
0x5f: {  	[bflag:$0x3] =	sbarrier.arrive $0xFFFF  }
0x60: {  	_ =	shalt  }

// kernel: kernel.8.cloned.1.call-start
scs
__scs_entry_jumppad:
0x0: {  	(pc) =	sbr.rel $0x88, $3  }
0x1: {  	(tag) =	ssettag $0x0;
	lr =	simm.s32 $0x1  }
0x2: {  	[smem:$0x3F9B] =	sst lr;
	_ =	strace $0xD0000000  }
0x3: {  	_ = 	snop  }
0x4: {  	_ = 	snop  }
0x5: {  	_ = 	snop  }
0x6: {  	_ = 	snop  }
0x7: {  	_ = 	snop  }
__scs_overlays_trampoline_lowered:
0x8: {  	[smem:$0x3FAA] =	sst s0  }
0x9: {  	[smem:$0x3FAB] =	sst s1  }
0xa: {  	[smem:$0x3FAC] =	sst s2  }
0xb: {  	[smem:$0x3FAD] =	sst s3  }
0xc: {  	[smem:$0x3FAE] =	sst s4  }
0xd: {  	[smem:$0x3FAF] =	sst s5  }
0xe: {  	[smem:$0x3FB0] =	sst s6  }
0xf: {  	[smem:$0x3FB1] =	sst s7  }
0x10: {  	[smem:$0x3FB2] =	sst s8  }
0x11: {  	[smem:$0x3FB3] =	sst s9;
	s0 =	simm.s32 @!p0 $0x0  }
0x12: {  	s1 =	sld [smem:$0x3F99];
	s0 =	simm.s32 @p0 $0x1  }
0x13: {  	[smem:$0x3FB4] =	sst s0;
	s0 =	simm.s32 @!p1 $0x0  }
0x14: {  	s2 =	sld [smem:$0x3F98];
	s0 =	simm.s32 @p1 $0x1  }
0x15: {  	[smem:$0x3FB5] =	sst s0;
	s0 =	simm.s32 @!p2 $0x0  }
0x16: {  	s3 =	sld [smem:$0x3FDB];
	s0 =	simm.s32 @p2 $0x1  }
0x17: {  	s4 =	simm.s32 $0x1BF5;
	[smem:$0x3FB7] =	sst s0  }
0x18: {  	s0 =	sld [smem:$0x3F9A];
	_ =	swait.ge [sflag:s4], $0x0  }
0x19: {  	s7 =	sld [smem:$0x3F9B]  }
0x1a: {  	s8 =	sadd.s32 $0xFFFFE003, lr  }
0x1b: {  	s9 =	sadd.s32 $0xFFFFFEF7, lr;
	s5 =	simm.s32 $0xFFFFFFFF;
	p2 =	slt.u32 s8, $0xFFFFF086  }
0x1c: {  	p1 =	slt.u32 s9, $0xF7A;
	s5 =	simm.s32 @!p2 $0x0  }
0x1d: {  	s5 =	simm.s32 @p1 $0x1;
	p0 =	seq.s32 s7, s2  }
0x1e: {  	s7 =	smul.u32 @!p0 $0xF7A, s2;
	p2 =	seq.s32 @!p0 s5, $0x0  }
0x1f: {  	s9 =	smul.u32 $0xF7A, s1;
	s8 =	simm.s32 @!p0 $0x1BF5;
	p2 =	por !p2, p0  }
0x20: {  	[sflag:s8] =	ssyncset.s32 @!p0 $0xFFFFF086;
	s6 =	sadd.s32 @!p0 s3, s7;
	s7 =	simm.s32 @!p0 $0x108  }
0x21: {  	s3 =	sadd.s32 s3, s9;
	s6 =	sadd.s32 @!p0 $0x88, s6;
	s7 =	simm.s32 @p2 $0x1082  }
0x22: {  	[simem:s7], [sflag:s8] =	dma.local @!p0 [hbm:s6], $0xF7A  }
0x23: {  	s9 =	sor.u32 $0xD0000000, s2;
	s6 =	simm.s32 $0x108;
	_ =	swait.ge @!p0 [sflag:s8], $0x0  }
0x24: {  	s3 =	sadd.s32 $0x88, s3;
	s6 =	simm.s32 @!p1 $0x1082;
	[sflag:s4] =	ssyncset.s32 $0xFFFFF086  }
0x25: {  	[simem:s6], [sflag:s4] =	dma.local [hbm:s3], $0xF7A  }
0x26: {  	[smem:$0x3F9B] =	sst s1;
	(tag) =	ssettag s2;
	_ =	strace s9  }
0x27: {  	s1 =	sld [smem:$0x3FAB]  }
0x28: {  	s2 =	sld [smem:$0x3FAC]  }
0x29: {  	s4 =	sld [smem:$0x3FAE]  }
0x2a: {  	p0 =	seq.s32 s5, $0x0;
	s5 =	sld [smem:$0x3FAF]  }
0x2b: {  	s6 =	sld [smem:$0x3FB0]  }
0x2c: {  	s7 =	sld [smem:$0x3FB1]  }
0x2d: {  	s3 =	simm.s32 $0x108;
	s8 =	sld [smem:$0x3FB2]  }
0x2e: {  	s3 =	simm.s32 @!p0 $0x1082;
	s9 =	sld [smem:$0x3FB3]  }
0x2f: {  	lr =	sadd.s32 s0, s3;
	s0 =	sld [smem:$0x3FAA]  }
0x30: {  	s3 =	sld [smem:$0x3FAD]  }
0x31: {  	[smem:$0x3FB6] =	sst s10  }
0x32: {  	s10 =	sld [smem:$0x3FB4];
	_ =	sdelay $0x3  }
0x33: {  	p0 =	seq.s32 s10, $0x1;
	s10 =	sld [smem:$0x3FB6];
	_ =	sdelay $0x3  }
0x34: {  	[smem:$0x3FB6] =	sst s10  }
0x35: {  	s10 =	sld [smem:$0x3FB5];
	_ =	sdelay $0x3  }
0x36: {  	p1 =	seq.s32 s10, $0x1;
	s10 =	sld [smem:$0x3FB6];
	_ =	sdelay $0x3  }
0x37: {  	[smem:$0x3FB6] =	sst s10  }
0x38: {  	s10 =	sld [smem:$0x3FB7]  }
0x39: {  	_ = 	snop;
	(pc) =	sbr.ind lr, $3  }
0x3a: {  	_ = 	snop  }
0x3b: {  	_ = 	snop  }
0x3c: {  	p2 =	seq.s32 s10, $0x1;
	s10 =	sld [smem:$0x3FB6]  }
0x3d: {  	_ =	shalt  }
0x3e: {  	_ =	shalt  }
0x3f: {  	_ =	shalt  }
0x40: {  	_ =	shalt  }
0x41: {  	_ =	shalt  }
0x42: {  	_ =	shalt  }
0x43: {  	_ =	shalt  }
0x44: {  	_ =	shalt  }
0x45: {  	_ =	shalt  }
0x46: {  	_ =	shalt  }
0x47: {  	_ =	shalt  }
0x48: {  	_ =	shalt  }
0x49: {  	_ =	shalt  }
0x4a: {  	_ =	shalt  }
0x4b: {  	_ =	shalt  }
0x4c: {  	_ =	shalt  }
0x4d: {  	_ =	shalt  }
0x4e: {  	_ =	shalt  }
0x4f: {  	_ =	shalt  }
0x50: {  	_ =	shalt  }
0x51: {  	_ =	shalt  }
0x52: {  	_ =	shalt  }
0x53: {  	_ =	shalt  }
0x54: {  	_ =	shalt  }
0x55: {  	_ =	shalt  }
0x56: {  	_ =	shalt  }
0x57: {  	_ =	shalt  }
0x58: {  	_ =	shalt  }
0x59: {  	_ =	shalt  }
0x5a: {  	_ =	shalt  }
0x5b: {  	_ =	shalt  }
0x5c: {  	_ =	shalt  }
0x5d: {  	_ =	shalt  }
0x5e: {  	_ =	shalt  }
0x5f: {  	_ =	shalt  }
0x60: {  	_ =	shalt  }
0x61: {  	_ =	shalt  }
0x62: {  	_ =	shalt  }
0x63: {  	_ =	shalt  }
0x64: {  	_ =	shalt  }
0x65: {  	_ =	shalt  }
0x66: {  	_ =	shalt  }
0x67: {  	_ =	shalt  }
0x68: {  	_ =	shalt  }
0x69: {  	_ =	shalt  }
0x6a: {  	_ =	shalt  }
0x6b: {  	_ =	shalt  }
0x6c: {  	_ =	shalt  }
0x6d: {  	_ =	shalt  }
0x6e: {  	_ =	shalt  }
0x6f: {  	_ =	shalt  }
0x70: {  	_ =	shalt  }
0x71: {  	_ =	shalt  }
0x72: {  	_ =	shalt  }
0x73: {  	_ =	shalt  }
0x74: {  	_ =	shalt  }
0x75: {  	_ =	shalt  }
0x76: {  	_ =	shalt  }
0x77: {  	_ =	shalt  }
0x78: {  	_ =	shalt  }
0x79: {  	_ =	shalt  }
0x7a: {  	_ =	shalt  }
0x7b: {  	_ =	shalt  }
0x7c: {  	_ =	shalt  }
0x7d: {  	_ =	shalt  }
0x7e: {  	_ =	shalt  }
0x7f: {  	_ =	shalt  }
0x80: {  	_ =	shalt  }
0x81: {  	_ =	shalt  }
0x82: {  	_ =	shalt  }
0x83: {  	_ =	shalt  }
0x84: {  	_ =	shalt  }
0x85: {  	_ =	shalt  }
0x86: {  	_ =	shalt  }
0x87: {  	_ =	shalt  }
.Lfunc_end0:
.L_simem_size_0:
called_computation_lowered:
.L_overlay_start_0:
0x88: {  	s2 =	sld [smem:$0x3FD9]  }
0x89: {  	s3 =	sld [smem:$0x3FFE];
	_ =	sdelay $0x1  }
0x8a: {  	s1 =	srdreg.scid  }
0x8b: {  	s0 =	sand.u32 $0x1, s1  }
0x8c: {  	s17 =	sshll.u32 s0, $0xA;
	s2 =	sadd.s32 s3, s2  }
0x8d: {  	s2 =	sadd.s32 s2, s17  }
0x8e: {  	[smem:$0x3FC2] =	sst s2  }
0x8f: {  	_ = 	snop  }
0x90: {  	s2 =	sld [smem:$0x3FD0];
	(tm) =	ssettm $0x1  }
0x91: {  	s18 =	sld [smem:$0x3FFB];
	_ =	sdelay $0x3  }
0x92: {  	_ =	strace s18  }
0x93: {  	s3 =	sld [smem:$0x3FFC];
	_ =	sdelay $0x3  }
0x94: {  	_ =	strace s3  }
0x95: {  	s3 =	sld [smem:$0x3FFD];
	_ =	sdelay $0x3  }
0x96: {  	_ =	strace s3  }
0x97: {  	_ =	strace $0x8FFFFFFF  }
0x98: {  	s19 =	sld [smem:$0x3FDB];
	_ =	sdelay $0x1  }
0x99: {  	s4 =	simm.s32 $_scs_section_size  }
0x9a: {  	s5 =	simm.s32 $_size__tile_overlayer_lowered;
	s6 =	simm.s32 $_tile_overlayer_lowered  }
0x9b: {  	s22 =	simm.s32 $0x1BFF;
	s21 =	sshll.u32 s6, $0x1;
	s3 =	sadd.s32 s4, s19  }
0x9c: {  	s7 =	simm.s32 $0x0;
	s20 =	sshll.u32 s5, $0x1;
	s5 =	sadd.s32 s21, s3  }
0x9d: {  	[timem:s7], [sflag:s22] =	dma.local [hbm:s5], s20  }
0x9e: {  	_ =	swait.ge [sflag:s22], s20  }
0x9f: {  	s4 =	ssub.s32 $0x0, s20;
	[sflag:s22] =	ssyncset.done $0x0  }
0xa0: {  	[sflag:s22] =	ssyncadd.s32 s4;
	_ =	sdelay $0x1  }
0xa1: {  	s23 =	simm.s32 $0x1B8B  }
0xa2: {  	_ =	swait.ge [sflag:s23], $0x1  }
0xa3: {  	[sflag:s23] =	ssyncset.done $0x0  }
0xa4: {  	s25 =	simm.s32 $0x1B8E;
	s24 =	sld [smem:$0x3FFE];
	[sflag:s23] =	ssyncadd.s32 $0xFFFFFFFF  }
0xa5: {  	s26 =	simm.s32 $execute0_lowered;
	[smem:$0x3FD2] =	sst s25  }
0xa6: {  	s5 =	sshll.u32 s26, $0x1;
	_ =	strace $0x80000046;
	[dreg:$0x1] =	wrdreg $0xFFFFFFFF  }
0xa7: {  	s28 =	simm.s32 $_size_execute0_lowered;
	s3 =	sadd.s32 s3, s5;
	[dreg:$0x0] =	wrdreg $0x0  }
0xa8: {  	s5 =	sshll.u32 s28, $0x1;
	[dreg:$0x2] =	wrdreg s3  }
0xa9: {  	[dreg:$0x3] =	wrdreg s5  }
0xaa: {  	[dreg:$0x4] =	wrdreg $0xC0  }
0xab: {  	_ =	task [dreg:s7], $0x5FFFF  }
0xac: {  	[dreg:$0x1] =	wrdreg $0xFFFFFFFF  }
0xad: {  	[dreg:$0x0] =	wrdreg $0x60  }
0xae: {  	[dreg:$0x2] =	wrdreg s24  }
0xaf: {  	[dreg:$0x3] =	wrdreg s2  }
0xb0: {  	[dreg:$0x4] =	wrdreg $0x53E80  }
0xb1: {  	[dreg:$0x5] =	wrdreg $0x9  }
0xb2: {  	_ =	task.clear_ibuf [dreg:s7], $0x6FFFF;
	_ =	strace $0x90000046  }
0xb3: {  	s29 =	simm.s32 $0x9;
	_ =	strace $0x80000048  }
0xb4: {  	_ =	swait.ge [sflag:s29], $0x1  }
0xb5: {  	[sflag:s29] =	ssyncadd.s32 $0xFFFFFFFF  }
0xb6: {  	_ =	strace $0x90000048  }
0xb7: {  	_ =	sfence  }
0xb8: {  	s30 =	sld [smem:$0x0];
	_ =	sdelay $0x2  }
0xb9: {  	s31 =	sshll.u32 s1, $0xD;
	s1 =	sshrl.u32 s1, $0x2  }
0xba: {  	s3 =	sand.u32 $0x4000, s31;
	s1 =	sadd.s32 s1, s30  }
0xbb: {  	s0 =	sor.u32 s3, s0;
	s1 =	sshll.u32 s1, $0x11  }
0xbc: {  	s0 =	sor.u32 s1, s0  }
0xbd: {  	s0 =	sadd.s32 $0x8F2B, s0  }
0xbe: {  	[sflag:s0] =	ssyncadd.remote.s32 $0x1  }
0xbf: {  	_ =	sfence.sel $0xFFFF  }
0xc0: {  	[dreg:$0x0] =	wrdreg $0xFFFFFFFF;
	(pc) =	sbr.abs _section_cstart, $3  }
0xc1: {  	[dreg:$0x1] =	wrdreg $0xFFFFFFFF  }
0xc2: {  	_ =	task.clear_ibuf [dreg:s7], $0x2FFFF;
	_ =	strace $0x9FFFFFFF  }
0xc3: {  	(tm) =	ssettm $0x7FFFFFFF  }
tec
execute0_lowered:
.L_overlay_start_1:
0x0: {  	(tag) =	ssettag $0x1  }
0x1: {  	s7 =	rddreg [dreg:$0x0]  }
0x2: {  	s2 =	rddreg [dreg:$0x1]  }
0x3: {  	s0 =	srdreg.scid;
	s3 =	rddreg [dreg:$0x2];
	s4 =	simm.s32 $0x0  }
0x4: {  	s14 =	simm.s32 $0x1;
	s6 =	sand.u32 $0x1, s0;
	s0 =	stileid.u32  }
0x5: {  	s15 =	simm.s32 $0x0;
	[smem:$0x7FF] =	sst s4;
	s8 =	smul.u32 $0x1400, s0  }
0x6: {  	s1 =	sshll.u32 s6, $0x4;
	s9 =	smul.u32 $0x14000, s6;
	s6 =	ssub.s32 $0x2, s6  }
0x7: {  	s11 =	sshll.u32 s0, $0x6;
	s1 =	sor.u32 s0, s1;
	s31 =	sshrl.u32 s6, $0x1  }
0x8: {  	s5 =	smul.u32 $0xA00, s1;
	s1 =	rddreg [dreg:$0x3];
	_ =	strace $0x80000047  }
0x9: {  	s9 =	sadd.s32 s8, s9;
	s12 =	ssub.s32 s6, s31;
	s13 =	sadd.s32 s8, s3  }
0xa: {  	s6 =	sor.u32 $0x1C02, s11;
	s11 =	simm.s32 $0x2;
	s9 =	sshrl.u32 s9, $0x3  }
0xb: {  	s10 =	sadd.s32 s5, s7;
	s5 =	sadd.s32 $0x15400, s7;
	s9 =	sadd.s32 s9, s7  }
0xc: {  	s7 =	sadd.s32 $0x1400, s10;
	s8 =	sadd.s32 $0x15600, s9;
	s9 =	smax.u32 s12, $0x1  }
0xd: {  	s10 =	sshrl.u32 s13, $0x3;
	s12 =	simm.s32 $0x5000;
	s13 =	simm.s32 $0x7D  }
.LBB2_1:
0xe: {  	[spmem:s10], [sflag:s6] =	dma.local [hbm:s2], $0x280  }
0xf: {  	_ =	swait.ge [sflag:s11], $0x280  }
0x10: {  	[sflag:s11] =	ssyncset.done $0x0  }
0x11: {  	[sflag:s11] =	ssyncadd.s32 $0xFFFFFD80  }
0x12: {  	[tilespmem:s4], [sflag:$0x2] =	stream.linear.gather [hbm4b:s7+s4], $0x5000, $0x38;
	[tilespmem:$0x67E8] =	vst v63  }
0x13: {  	_ =	swait.ge [sflag:s11], $0x5000  }
0x14: {  	[sflag:s11] =	ssyncset.done $0x0  }
0x15: {  	[sflag:s11] =	ssyncadd.s32 $0xFFFFB000  }
0x16: {  	[tilespmem:s12], [sflag:$0x2] =	stream.linear.gather [hbm4b:s5+s4], $0x3E8, $0x38;
	[tilespmem:$0x67E8] =	vst v63  }
0x17: {  	_ =	swait.ge [sflag:s11], $0x3E8  }
0x18: {  	[sflag:s11] =	ssyncset.done $0x0  }
0x19: {  	[sflag:s11] =	ssyncadd.s32 $0xFFFFFC18  }
0x1a: {  	s16 =	simm.s32 $0x0;
	[bflag:$0x0] =	sbarrier.arrive $0xFFFF  }
.LBB2_2:
0x1b: {  	p0 =	sne.s32 s16, $0x13E00  }
.Ltmp0:
0x1c: {  	_ = 	snop;
	(pc) =	sbr.rel @p0 .LBB2_2-.Ltmp0, $3  }
0x1d: {  	_ =	sdelay $0x1  }
0x1e: {  	s17 =	sshra.s32 s16, $0x2;
	s16 =	sadd.s32 $0x200, s16  }
0x1f: {  	[spmem:s3] =	stream.indirect.scatter.add.f32 [tilespmem:s12], [sflag:$0x1], $0x8, s17, s13, $0xb8;
	[tilespmem:$0x67E8] =	vst v63  }
0x20: {  	_ =	swait.ge [sflag:s14], $0x3E8  }
0x21: {  	s16 =	simm.s32 $0x9F;
	[sflag:s14] =	ssyncset.done $0x0  }
.LBB2_4:
0x22: {  	p0 =	sne.s32 s16, $0x1;
	s16 =	sadd.s32 $0xFFFFFFFF, s16;
	[sflag:s14] =	ssyncadd.s32 $0xFFFFFC18  }
.Ltmp1:
0x23: {  	(pc) =	sbr.rel @p0 .LBB2_4-.Ltmp1, $3  }
0x24: {  	_ =	sdelay $0x1  }
0x25: {  	_ =	swait.ge [sflag:s14], $0x3E8  }
0x26: {  	[sflag:s14] =	ssyncset.done $0x0  }
0x27: {  	s15 =	sadd.s32 $0x1, s15  }
0x28: {  	[sflag:s14] =	ssyncadd.s32 $0xFFFFFC18;
	p0 =	sne.s32 s15, s9  }
.Ltmp2:
0x29: {  	[bflag:$0x0] =	sbarrier.arrive $0xFFFF;
	(pc) =	sbr.rel @p0 .LBB2_1-.Ltmp2, $4  }
0x2a: {  	[hbm:s8], [sflag:s6] =	dma.local [spmem:s10], $0x280  }
0x2b: {  	_ =	swait.ge [sflag:s11], $0x280  }
0x2c: {  	[sflag:s11] =	ssyncset.done $0x0  }
0x2d: {  	[sflag:s11] =	ssyncadd.s32 $0xFFFFFD80  }
0x2e: {  	_ =	sfence.sel $0x180000  }
0x2f: {  	[bflag:$0x0] =	sbarrier.arrive $0xFFFF  }
0x30: {  	p0 =	sne.s32 s0, $0x0;
	_ =	strace $0x90000047  }
0x31: {  	s0 =	sadd.s32 @!p0 $0x100000, s1;
	[bflag:$0x2] =	sbarrier.arrive $0xFFFF  }
0x32: {  	[sflag:s0] =	ssyncadd.tile.s32 @!p0 $0x1;
	_ =	shalt  }
.Lfunc_end2:
_tile_overlayer_lowered:
.L_overlay_start_2:
0x33: {  	(tag) =	ssettag $0x2  }
0x34: {  	s0 =	rddreg [dreg:$0x0];
	s2 =	stileid.u32  }
0x35: {  	s1 =	rddreg [dreg:$0x1];
	p0 =	sne.s32 s2, $0x0  }
0x36: {  	s3 =	rddreg [dreg:$0x2];
	[bflag:$0x3] =	sbarrier.arrive $0xFFFF;
	s2 =	simm.s32 @!p0 $0x1C02  }
0x37: {  	[timem:s3], [sflag:s2] =	dma.local @!p0 [hbm:s0], s1  }
0x38: {  	s0 =	simm.s32 @!p0 $0x2  }
0x39: {  	_ =	swait.ge @!p0 [sflag:s0], s1  }
0x3a: {  	s1 =	ssub.s32 @!p0 $0x0, s1;
	[sflag:s0] =	ssyncset.done @!p0 $0x0  }
0x3b: {  	[sflag:s0] =	ssyncadd.s32 @!p0 s1  }
0x3c: {  	[bflag:$0x3] =	sbarrier.arrive $0xFFFF  }
0x3d: {  	_ =	shalt  }

</sc_bundles>
